<compile_context>
chip_gen: v7x
topology: tpu7x:2x2x1
jax: 0.10.2.dev20260603
libtpu: 0.0.44.dev20260713+nightly
codegen_flags: <defaults>
</compile_context>

<pallas_src>
import jax
import jax.numpy as jnp
from jax import lax
from jax.experimental import pallas as pl
from jax.experimental.pallas import tpu as pltpu
from jax.experimental.pallas import tpu_sc as plsc

N_CLS = 100
B = 256
H = 224
W = 224
NW = 32
NBLK = 3 * H
BLKS_PER_W = NBLK // NW
WCHUNK = 112
NB16 = B // 16


def _sc_body(tbl_hbm, idx_hbm, clstab_hbm, out_hbm, cls_hbm,
             stg, obuf, idx_v, idx16_v, cls_v,
             sem_i0, sem_i1, sem_o0, sem_o1, sem_cls):
    c = lax.axis_index("c")
    s = lax.axis_index("s")
    wid = s * 2 + c

    @pl.when(wid < 16)
    def _():
        pltpu.sync_copy(idx_hbm.at[pl.ds(wid * 16, 16)], idx16_v)
        pltpu.async_copy(clstab_hbm.at[idx16_v], cls_v, sem_cls).wait()
        pltpu.sync_copy(cls_v, cls_hbm.at[pl.ds(wid * 16, 16)])

    pltpu.sync_copy(idx_hbm, idx_v)
    slabs = [idx_v[pl.ds(b0 * 16, 16)] for b0 in range(NB16)]
    zero16 = jnp.zeros((16,), jnp.int32)

    def compute(sb, ob):
        @plsc.parallel_loop(0, WCHUNK, unroll=2)
        def _w(w):
            wv = zero16 + w
            for b0 in range(NB16):
                x = plsc.load_gather(stg.at[sb], [wv, slabs[b0]])
                obuf[ob, w, pl.ds(b0 * 16, 16)] = x

    def drain(ob, sem):
        pltpu.make_async_copy(
            out_hbm.at[0, 0, pl.ds(0, WCHUNK)], obuf.at[ob], sem).wait()

    def block_body(j, _):
        bid = wid * BLKS_PER_W + j
        ch = bid // H
        h = bid - ch * H
        cp_i0 = pltpu.async_copy(
            tbl_hbm.at[ch, h, pl.ds(0, WCHUNK)], stg.at[0], sem_i0)
        cp_i1 = pltpu.async_copy(
            tbl_hbm.at[ch, h, pl.ds(WCHUNK, WCHUNK)], stg.at[1], sem_i1)

        @pl.when(j > 0)
        def _():
            drain(0, sem_o0)
        cp_i0.wait()
        compute(0, 0)
        pltpu.async_copy(
            obuf.at[0], out_hbm.at[ch, h, pl.ds(0, WCHUNK)], sem_o0)

        @pl.when(j > 0)
        def _():
            drain(1, sem_o1)
        cp_i1.wait()
        compute(1, 1)
        pltpu.async_copy(
            obuf.at[1], out_hbm.at[ch, h, pl.ds(WCHUNK, WCHUNK)], sem_o1)
        return 0

    lax.fori_loop(0, BLKS_PER_W, block_body, 0)
    drain(0, sem_o0)
    drain(1, sem_o1)


@jax.jit
def _run(tblT, idx, clstab):
    mesh = plsc.VectorSubcoreMesh(
        core_axis_name="c", subcore_axis_name="s", num_cores=2, num_subcores=16
    )
    f = pl.kernel(
        _sc_body,
        out_type=(
            jax.ShapeDtypeStruct((3, H, W, B), jnp.float32),
            jax.ShapeDtypeStruct((B,), jnp.int32),
        ),
        mesh=mesh,
        compiler_params=pltpu.CompilerParams(needs_layout_passes=False),
        scratch_types=[
            pltpu.VMEM((2, WCHUNK, N_CLS), jnp.float32),
            pltpu.VMEM((2, WCHUNK, B), jnp.float32),
            pltpu.VMEM((B,), jnp.int32),
            pltpu.VMEM((16,), jnp.int32),
            pltpu.VMEM((16,), jnp.int32),
            pltpu.SemaphoreType.DMA,
            pltpu.SemaphoreType.DMA,
            pltpu.SemaphoreType.DMA,
            pltpu.SemaphoreType.DMA,
            pltpu.SemaphoreType.DMA,
        ],
    )
    return f(tblT, idx, clstab)


def kernel(indices, input_tensor, classes_arr):
    idx = indices.astype(jnp.int32)
    eye = jnp.eye(N_CLS, dtype=jnp.float32)
    tblT = lax.dot_general(
        input_tensor, eye, (((0,), (0,)), ((), ())),
        preferred_element_type=jnp.float32)
    tblT = jnp.minimum(jnp.maximum(tblT, -0.5), 0.5) + 0.5
    clstab = jnp.pad(classes_arr.astype(jnp.int32), (0, 128 - N_CLS))
    out_t, cls = _run(tblT, idx, clstab)
    return jnp.transpose(out_t, (3, 0, 1, 2)), cls

# --- scband reference (transcript-rebuilt; emitter-appended) ---
"""Pipeline reference for scband-input-image-layer-22282290331775 (READ-ONLY COPY).

The authoritative reference and input builder live on the scoring server;
editing this copy changes nothing except your own understanding.
"""

import jax, jax.numpy as jnp
import numpy as np

N_CLASSES = 100
IMG_SHAPE = (3, 224, 224)
BATCH = 256


def setup_inputs(seed: int = 0) -> dict:
    key = jax.random.key(seed)
    k1, k2 = jax.random.split(key)
    indices = jax.random.randint(k1, (BATCH,), 0, N_CLASSES, dtype=jnp.int64 if jax.config.jax_enable_x64 else jnp.int32)
    # learned parameter: per-class image tensor, init randn * 0.001 (as in torch __init__)
    input_tensor = jax.random.normal(k2, (N_CLASSES,) + IMG_SHAPE, dtype=jnp.float32) * 0.001
    # non-trainable classes buffer
    classes_arr = jnp.arange(N_CLASSES, dtype=jnp.int32)
    return {"indices": indices, "input_tensor": input_tensor, "classes_arr": classes_arr}


def reference(indices, input_tensor, classes_arr):
    # tensors = self.input_tensor[indices]  (row gather from embedding table)
    tensors = jnp.take(input_tensor, indices, axis=0)
    # classes = self.classes[indices]
    classes = jnp.take(classes_arr, indices, axis=0)
    # param_fn: clip(x, -0.5, 0.5) + 0.5 ; aug_fn is Identity
    imgs = jnp.clip(tensors, -0.5, 0.5) + 0.5
    return (imgs, classes)

if __name__ == "__main__":
    import jax
    _d = setup_inputs()
    print(jax.jit(kernel)(*tuple(_d.values())))

</pallas_src>

<mosaic_0001>
#map = affine_map<(d0, d1) -> (0, 0, 0, 0)>
#map1 = affine_map<(d0, d1) -> (0)>
module attributes {stable_mosaic.version = 14 : i64} {
  func.func @_sc_body(%arg0: i32, %arg1: i32, %arg2: memref<3x224x224x100xf32, #tpu.memory_space<hbm>>, %arg3: memref<256xi32, #tpu.memory_space<hbm>>, %arg4: memref<128xi32, #tpu.memory_space<hbm>>, %arg5: memref<3x224x224x256xf32, #tpu.memory_space<hbm>>, %arg6: memref<256xi32, #tpu.memory_space<hbm>>, %arg7: memref<2x112x100xf32, #tpu.memory_space<vmem>>, %arg8: memref<2x112x256xf32, #tpu.memory_space<vmem>>, %arg9: memref<256xi32, #tpu.memory_space<vmem>>, %arg10: memref<16xi32, #tpu.memory_space<vmem>>, %arg11: memref<16xi32, #tpu.memory_space<vmem>>, %arg12: memref<!tpu.dma_semaphore, #tpu.memory_space<semaphore_mem>>, %arg13: memref<!tpu.dma_semaphore, #tpu.memory_space<semaphore_mem>>, %arg14: memref<!tpu.dma_semaphore, #tpu.memory_space<semaphore_mem>>, %arg15: memref<!tpu.dma_semaphore, #tpu.memory_space<semaphore_mem>>, %arg16: memref<!tpu.dma_semaphore, #tpu.memory_space<semaphore_mem>>) attributes {dimension_semantics = [#tpu.dimension_semantics<core_parallel>, #tpu.dimension_semantics<subcore_parallel>], iteration_bounds = array<i64: 2, 16>, scalar_prefetch = 0 : i64, scratch_operands = 10 : i64, tpu.core_type = #tpu.core_type<sc_vector_subcore>, window_params = [{transform_indices = #map}, {transform_indices = #map1}, {transform_indices = #map1}, {transform_indices = #map}, {transform_indices = #map1}]} {
    %mul3A = arith.constant 2 : i32
    %mul3A_0 = arith.muli %arg1, %mul3A : i32
    %add3A = arith.addi %mul3A_0, %arg0 : i32
    %lt3A = arith.constant 16 : i32
    %lt3A_1 = arith.cmpi slt, %add3A, %lt3A : i32
    %convert_element_type3A = arith.extui %lt3A_1 : i1 to i32
    %cond3A = arith.constant 0 : i32
    %cond3A_2 = arith.cmpi ne, %convert_element_type3A, %cond3A : i32
    scf.if %cond3A_2 {
      %mul3A_78 = arith.constant 16 : i32
      %mul3A_79 = arith.muli %add3A, %mul3A_78 : i32
      "tpu.region"() ({
        %run_scoped3A = tpu.sem_alloc : memref<!tpu.dma_semaphore, #tpu.memory_space<semaphore_mem>>
        %dma_start3A_85 = tpu.memref_slice %arg3[%mul3A_79] : memref<256xi32, #tpu.memory_space<hbm>> -> memref<16xi32, #tpu.memory_space<hbm>>
        %dma_start3A_86 = tpu.memref_slice %arg3[%mul3A_79] : memref<256xi32, #tpu.memory_space<hbm>> -> memref<16xi32, #tpu.memory_space<hbm>>
        tpu.enqueue_dma source(%dma_start3A_86 : memref<16xi32, #tpu.memory_space<hbm>>) target(%arg10 : memref<16xi32, #tpu.memory_space<vmem>>) target_semaphore(%run_scoped3A : memref<!tpu.dma_semaphore, #tpu.memory_space<semaphore_mem>>)
        %dma_wait3A_87 = tpu.memref_slice %arg3[%mul3A_79] : memref<256xi32, #tpu.memory_space<hbm>> -> memref<16xi32, #tpu.memory_space<hbm>>
        %dma_wait3A_88 = tpu.memref_slice %arg3[%mul3A_79] : memref<256xi32, #tpu.memory_space<hbm>> -> memref<16xi32, #tpu.memory_space<hbm>>
        tpu.wait_dma2 semaphore(%run_scoped3A : memref<!tpu.dma_semaphore, #tpu.memory_space<semaphore_mem>>) src(%dma_wait3A_88 : memref<16xi32, #tpu.memory_space<hbm>>) dst(%arg10 : memref<16xi32, #tpu.memory_space<vmem>>)
        tpu.yield
      }) : () -> ()
      %dma_start3A = arith.constant 0 : i32
      %dma_start3A_80 = tpu.memref_slice %arg4[%dma_start3A] : memref<128xi32, #tpu.memory_space<hbm>> -> memref<128xi32, #tpu.memory_space<hbm>>
      tpu.enqueue_indirect_dma source(%dma_start3A_80 : memref<128xi32, #tpu.memory_space<hbm>>) target(%arg11 : memref<16xi32, #tpu.memory_space<vmem>>) offsets(%arg10 : memref<16xi32, #tpu.memory_space<vmem>>) semaphore(%arg16 : memref<!tpu.dma_semaphore, #tpu.memory_space<semaphore_mem>>)
      %dma_wait3A_81 = arith.constant 0 : i32
      %dma_wait3A_82 = tpu.memref_slice %arg4[%dma_wait3A_81] : memref<128xi32, #tpu.memory_space<hbm>> -> memref<128xi32, #tpu.memory_space<hbm>>
      tpu.wait_indirect_dma semaphore(%arg16 : memref<!tpu.dma_semaphore, #tpu.memory_space<semaphore_mem>>) src(%dma_wait3A_82 : memref<128xi32, #tpu.memory_space<hbm>>) dst(%arg11 : memref<16xi32, #tpu.memory_space<vmem>>)
      %mul3A_83 = arith.constant 16 : i32
      %mul3A_84 = arith.muli %add3A, %mul3A_83 : i32
      "tpu.region"() ({
        %run_scoped3A = tpu.sem_alloc : memref<!tpu.dma_semaphore, #tpu.memory_space<semaphore_mem>>
        %dma_start3A_85 = tpu.memref_slice %arg6[%mul3A_84] : memref<256xi32, #tpu.memory_space<hbm>> -> memref<16xi32, #tpu.memory_space<hbm>>
        %dma_start3A_86 = tpu.memref_slice %arg6[%mul3A_84] : memref<256xi32, #tpu.memory_space<hbm>> -> memref<16xi32, #tpu.memory_space<hbm>>
        tpu.enqueue_dma source(%arg11 : memref<16xi32, #tpu.memory_space<vmem>>) target(%dma_start3A_86 : memref<16xi32, #tpu.memory_space<hbm>>) target_semaphore(%run_scoped3A : memref<!tpu.dma_semaphore, #tpu.memory_space<semaphore_mem>>)
        %dma_wait3A_87 = tpu.memref_slice %arg6[%mul3A_84] : memref<256xi32, #tpu.memory_space<hbm>> -> memref<16xi32, #tpu.memory_space<hbm>>
        %dma_wait3A_88 = tpu.memref_slice %arg6[%mul3A_84] : memref<256xi32, #tpu.memory_space<hbm>> -> memref<16xi32, #tpu.memory_space<hbm>>
        tpu.wait_dma2 semaphore(%run_scoped3A : memref<!tpu.dma_semaphore, #tpu.memory_space<semaphore_mem>>) src(%arg11 : memref<16xi32, #tpu.memory_space<vmem>>) dst(%dma_wait3A_88 : memref<16xi32, #tpu.memory_space<hbm>>)
        tpu.yield
      }) : () -> ()
    } else {
    }
    "tpu.region"() ({
      %run_scoped3A = tpu.sem_alloc : memref<!tpu.dma_semaphore, #tpu.memory_space<semaphore_mem>>
      tpu.enqueue_dma source(%arg3 : memref<256xi32, #tpu.memory_space<hbm>>) target(%arg9 : memref<256xi32, #tpu.memory_space<vmem>>) target_semaphore(%run_scoped3A : memref<!tpu.dma_semaphore, #tpu.memory_space<semaphore_mem>>)
      tpu.wait_dma2 semaphore(%run_scoped3A : memref<!tpu.dma_semaphore, #tpu.memory_space<semaphore_mem>>) src(%arg3 : memref<256xi32, #tpu.memory_space<hbm>>) dst(%arg9 : memref<256xi32, #tpu.memory_space<vmem>>)
      tpu.yield
    }) : () -> ()
    %get3A = arith.constant 0 : index
    %get3A_3 = tpu.vector_load %arg9[%get3A] {strides = array<i32>} : memref<256xi32, #tpu.memory_space<vmem>>, vector<16xi32>,
    %get3A_4 = arith.constant 16 : index
    %get3A_5 = tpu.vector_load %arg9[%get3A_4] {strides = array<i32>} : memref<256xi32, #tpu.memory_space<vmem>>, vector<16xi32>,
    %get3A_6 = arith.constant 32 : index
    %get3A_7 = tpu.vector_load %arg9[%get3A_6] {strides = array<i32>} : memref<256xi32, #tpu.memory_space<vmem>>, vector<16xi32>,
    %get3A_8 = arith.constant 48 : index
    %get3A_9 = tpu.vector_load %arg9[%get3A_8] {strides = array<i32>} : memref<256xi32, #tpu.memory_space<vmem>>, vector<16xi32>,
    %get3A_10 = arith.constant 64 : index
    %get3A_11 = tpu.vector_load %arg9[%get3A_10] {strides = array<i32>} : memref<256xi32, #tpu.memory_space<vmem>>, vector<16xi32>,
    %get3A_12 = arith.constant 80 : index
    %get3A_13 = tpu.vector_load %arg9[%get3A_12] {strides = array<i32>} : memref<256xi32, #tpu.memory_space<vmem>>, vector<16xi32>,
    %get3A_14 = arith.constant 96 : index
    %get3A_15 = tpu.vector_load %arg9[%get3A_14] {strides = array<i32>} : memref<256xi32, #tpu.memory_space<vmem>>, vector<16xi32>,
    %get3A_16 = arith.constant 112 : index
    %get3A_17 = tpu.vector_load %arg9[%get3A_16] {strides = array<i32>} : memref<256xi32, #tpu.memory_space<vmem>>, vector<16xi32>,
    %get3A_18 = arith.constant 128 : index
    %get3A_19 = tpu.vector_load %arg9[%get3A_18] {strides = array<i32>} : memref<256xi32, #tpu.memory_space<vmem>>, vector<16xi32>,
    %get3A_20 = arith.constant 144 : index
    %get3A_21 = tpu.vector_load %arg9[%get3A_20] {strides = array<i32>} : memref<256xi32, #tpu.memory_space<vmem>>, vector<16xi32>,
    %get3A_22 = arith.constant 160 : index
    %get3A_23 = tpu.vector_load %arg9[%get3A_22] {strides = array<i32>} : memref<256xi32, #tpu.memory_space<vmem>>, vector<16xi32>,
    %get3A_24 = arith.constant 176 : index
    %get3A_25 = tpu.vector_load %arg9[%get3A_24] {strides = array<i32>} : memref<256xi32, #tpu.memory_space<vmem>>, vector<16xi32>,
    %get3A_26 = arith.constant 192 : index
    %get3A_27 = tpu.vector_load %arg9[%get3A_26] {strides = array<i32>} : memref<256xi32, #tpu.memory_space<vmem>>, vector<16xi32>,
    %get3A_28 = arith.constant 208 : index
    %get3A_29 = tpu.vector_load %arg9[%get3A_28] {strides = array<i32>} : memref<256xi32, #tpu.memory_space<vmem>>, vector<16xi32>,
    %get3A_30 = arith.constant 224 : index
    %get3A_31 = tpu.vector_load %arg9[%get3A_30] {strides = array<i32>} : memref<256xi32, #tpu.memory_space<vmem>>, vector<16xi32>,
    %get3A_32 = arith.constant 240 : index
    %get3A_33 = tpu.vector_load %arg9[%get3A_32] {strides = array<i32>} : memref<256xi32, #tpu.memory_space<vmem>>, vector<16xi32>,
    %broadcast_in_dim3A = arith.constant 0 : i32
    %broadcast_in_dim3A_34 = vector.broadcast %broadcast_in_dim3A : i32 to vector<16xi32>
    %scan3A = arith.constant 0 : i32
    %scan3A_35 = arith.constant 0 : i32
    %scan3A_36 = arith.constant 21 : i32
    %scan3A_37 = arith.addi %scan3A_35, %scan3A_36 : i32
    %scan3A_38 = arith.constant 1 : i32
    %scan3A_39 = scf.for %scan3A_78 = %scan3A_35 to %scan3A_37 step %scan3A_38 iter_args(%scan3A_79 = %scan3A) -> (i32)  : i32 {
      %mul3A_80 = arith.constant 21 : i32
      %mul3A_81 = arith.muli %add3A, %mul3A_80 : i32
      %add3A_82 = arith.addi %mul3A_81, %scan3A_78 : i32
      %jit3A = arith.constant 224 : i32
      %div3A = arith.divsi %add3A_82, %jit3A : i32
      %sign3A = arith.constant 0 : i32
      %sign3A_83 = arith.cmpi sgt, %add3A_82, %sign3A : i32
      %sign3A_84 = arith.extui %sign3A_83 : i1 to i32
      %sign3A_85 = arith.constant 0 : i32
      %sign3A_86 = arith.cmpi slt, %add3A_82, %sign3A_85 : i32
      %sign3A_87 = arith.extui %sign3A_86 : i1 to i32
      %sign3A_88 = arith.subi %sign3A_84, %sign3A_87 : i32
      %sign3A_89 = arith.constant 0 : i32
      %sign3A_90 = arith.cmpi sgt, %jit3A, %sign3A_89 : i32
      %sign3A_91 = arith.extui %sign3A_90 : i1 to i32
      %sign3A_92 = arith.constant 0 : i32
      %sign3A_93 = arith.cmpi slt, %jit3A, %sign3A_92 : i32
      %sign3A_94 = arith.extui %sign3A_93 : i1 to i32
      %sign3A_95 = arith.subi %sign3A_91, %sign3A_94 : i32
      %ne3A = arith.cmpi ne, %sign3A_88, %sign3A_95 : i32
      %rem3A = arith.remsi %add3A_82, %jit3A : i32
      %ne3A_96 = arith.constant 0 : i32
      %ne3A_97 = arith.cmpi ne, %rem3A, %ne3A_96 : i32
      %and3A = arith.andi %ne3A, %ne3A_97 : i1
      %sub3A = arith.constant 1 : i32
      %sub3A_98 = arith.subi %div3A, %sub3A : i32
      %select_n3A = arith.select %and3A, %sub3A_98, %div3A : i32
      %mul3A_99 = arith.constant 224 : i32
      %mul3A_100 = arith.muli %select_n3A, %mul3A_99 : i32
      %sub3A_101 = arith.subi %add3A_82, %mul3A_100 : i32
      %dma_start3A = arith.constant 0 : i32
      %dma_start3A_102 = arith.constant 0 : i32
      %dma_start3A_103 = arith.constant 0 : i32
      %dma_start3A_104 = tpu.memref_slice %arg7[%dma_start3A, %dma_start3A_102, %dma_start3A_103] : memref<2x112x100xf32, #tpu.memory_space<vmem>> -> memref<1x112x100xf32, #tpu.memory_space<vmem>>
      %dma_start3A_105 = tpu.memref_squeeze %dma_start3A_104 : memref<1x112x100xf32, #tpu.memory_space<vmem>> -> memref<112x100xf32, #tpu.memory_space<vmem>>
      %dma_start3A_106 = arith.constant 0 : i32
      %dma_start3A_107 = arith.constant 0 : i32
      %dma_start3A_108 = tpu.memref_slice %arg2[%select_n3A, %sub3A_101, %dma_start3A_106, %dma_start3A_107] : memref<3x224x224x100xf32, #tpu.memory_space<hbm>> -> memref<1x1x112x100xf32, #tpu.memory_space<hbm>>
      %dma_start3A_109 = tpu.memref_squeeze %dma_start3A_108 : memref<1x1x112x100xf32, #tpu.memory_space<hbm>> -> memref<112x100xf32, #tpu.memory_space<hbm>>
      %dma_start3A_110 = arith.constant 0 : i32
      %dma_start3A_111 = arith.constant 0 : i32
      %dma_start3A_112 = tpu.memref_slice %arg7[%dma_start3A, %dma_start3A_110, %dma_start3A_111] : memref<2x112x100xf32, #tpu.memory_space<vmem>> -> memref<1x112x100xf32, #tpu.memory_space<vmem>>
      %dma_start3A_113 = tpu.memref_squeeze %dma_start3A_112 : memref<1x112x100xf32, #tpu.memory_space<vmem>> -> memref<112x100xf32, #tpu.memory_space<vmem>>
      %dma_start3A_114 = arith.constant 0 : i32
      %dma_start3A_115 = arith.constant 0 : i32
      %dma_start3A_116 = tpu.memref_slice %arg2[%select_n3A, %sub3A_101, %dma_start3A_114, %dma_start3A_115] : memref<3x224x224x100xf32, #tpu.memory_space<hbm>> -> memref<1x1x112x100xf32, #tpu.memory_space<hbm>>
      %dma_start3A_117 = tpu.memref_squeeze %dma_start3A_116 : memref<1x1x112x100xf32, #tpu.memory_space<hbm>> -> memref<112x100xf32, #tpu.memory_space<hbm>>
      tpu.enqueue_dma source(%dma_start3A_117 : memref<112x100xf32, #tpu.memory_space<hbm>>) target(%dma_start3A_113 : memref<112x100xf32, #tpu.memory_space<vmem>>) target_semaphore(%arg12 : memref<!tpu.dma_semaphore, #tpu.memory_space<semaphore_mem>>)
      %dma_start3A_118 = arith.constant 1 : i32
      %dma_start3A_119 = arith.constant 0 : i32
      %dma_start3A_120 = arith.constant 0 : i32
      %dma_start3A_121 = tpu.memref_slice %arg7[%dma_start3A_118, %dma_start3A_119, %dma_start3A_120] : memref<2x112x100xf32, #tpu.memory_space<vmem>> -> memref<1x112x100xf32, #tpu.memory_space<vmem>>
      %dma_start3A_122 = tpu.memref_squeeze %dma_start3A_121 : memref<1x112x100xf32, #tpu.memory_space<vmem>> -> memref<112x100xf32, #tpu.memory_space<vmem>>
      %dma_start3A_123 = arith.constant 112 : i32
      %dma_start3A_124 = arith.constant 0 : i32
      %dma_start3A_125 = tpu.memref_slice %arg2[%select_n3A, %sub3A_101, %dma_start3A_123, %dma_start3A_124] : memref<3x224x224x100xf32, #tpu.memory_space<hbm>> -> memref<1x1x112x100xf32, #tpu.memory_space<hbm>>
      %dma_start3A_126 = tpu.memref_squeeze %dma_start3A_125 : memref<1x1x112x100xf32, #tpu.memory_space<hbm>> -> memref<112x100xf32, #tpu.memory_space<hbm>>
      %dma_start3A_127 = arith.constant 0 : i32
      %dma_start3A_128 = arith.constant 0 : i32
      %dma_start3A_129 = tpu.memref_slice %arg7[%dma_start3A_118, %dma_start3A_127, %dma_start3A_128] : memref<2x112x100xf32, #tpu.memory_space<vmem>> -> memref<1x112x100xf32, #tpu.memory_space<vmem>>
      %dma_start3A_130 = tpu.memref_squeeze %dma_start3A_129 : memref<1x112x100xf32, #tpu.memory_space<vmem>> -> memref<112x100xf32, #tpu.memory_space<vmem>>
      %dma_start3A_131 = arith.constant 112 : i32
      %dma_start3A_132 = arith.constant 0 : i32
      %dma_start3A_133 = tpu.memref_slice %arg2[%select_n3A, %sub3A_101, %dma_start3A_131, %dma_start3A_132] : memref<3x224x224x100xf32, #tpu.memory_space<hbm>> -> memref<1x1x112x100xf32, #tpu.memory_space<hbm>>
      %dma_start3A_134 = tpu.memref_squeeze %dma_start3A_133 : memref<1x1x112x100xf32, #tpu.memory_space<hbm>> -> memref<112x100xf32, #tpu.memory_space<hbm>>
      tpu.enqueue_dma source(%dma_start3A_134 : memref<112x100xf32, #tpu.memory_space<hbm>>) target(%dma_start3A_130 : memref<112x100xf32, #tpu.memory_space<vmem>>) target_semaphore(%arg13 : memref<!tpu.dma_semaphore, #tpu.memory_space<semaphore_mem>>)
      %gt3A = arith.constant 0 : i32
      %gt3A_135 = arith.cmpi sgt, %scan3A_78, %gt3A : i32
      %convert_element_type3A_136 = arith.extui %gt3A_135 : i1 to i32
      %cond3A_137 = arith.constant 0 : i32
      %cond3A_138 = arith.cmpi ne, %convert_element_type3A_136, %cond3A_137 : i32
      scf.if %cond3A_138 {
        %dma_wait3A_218 = arith.constant 0 : i32
        %dma_wait3A_219 = arith.constant 0 : i32
        %dma_wait3A_220 = arith.constant 0 : i32
        %dma_wait3A_221 = arith.constant 0 : i32
        %dma_wait3A_222 = arith.constant 0 : i32
        %dma_wait3A_223 = tpu.memref_slice %arg8[%dma_wait3A_220, %dma_wait3A_221, %dma_wait3A_222] : memref<2x112x256xf32, #tpu.memory_space<vmem>> -> memref<1x112x256xf32, #tpu.memory_space<vmem>>
        %dma_wait3A_224 = tpu.memref_squeeze %dma_wait3A_223 : memref<1x112x256xf32, #tpu.memory_space<vmem>> -> memref<112x256xf32, #tpu.memory_space<vmem>>
        %dma_wait3A_225 = arith.constant 0 : i32
        %dma_wait3A_226 = arith.constant 0 : i32
        %dma_wait3A_227 = tpu.memref_slice %arg5[%dma_wait3A_218, %dma_wait3A_219, %dma_wait3A_225, %dma_wait3A_226] : memref<3x224x224x256xf32, #tpu.memory_space<hbm>> -> memref<1x1x112x256xf32, #tpu.memory_space<hbm>>
        %dma_wait3A_228 = tpu.memref_squeeze %dma_wait3A_227 : memref<1x1x112x256xf32, #tpu.memory_space<hbm>> -> memref<112x256xf32, #tpu.memory_space<hbm>>
        %dma_wait3A_229 = arith.constant 0 : i32
        %dma_wait3A_230 = arith.constant 0 : i32
        %dma_wait3A_231 = tpu.memref_slice %arg8[%dma_wait3A_220, %dma_wait3A_229, %dma_wait3A_230] : memref<2x112x256xf32, #tpu.memory_space<vmem>> -> memref<1x112x256xf32, #tpu.memory_space<vmem>>
        %dma_wait3A_232 = tpu.memref_squeeze %dma_wait3A_231 : memref<1x112x256xf32, #tpu.memory_space<vmem>> -> memref<112x256xf32, #tpu.memory_space<vmem>>
        %dma_wait3A_233 = arith.constant 0 : i32
        %dma_wait3A_234 = arith.constant 0 : i32
        %dma_wait3A_235 = tpu.memref_slice %arg5[%dma_wait3A_218, %dma_wait3A_219, %dma_wait3A_233, %dma_wait3A_234] : memref<3x224x224x256xf32, #tpu.memory_space<hbm>> -> memref<1x1x112x256xf32, #tpu.memory_space<hbm>>
        %dma_wait3A_236 = tpu.memref_squeeze %dma_wait3A_235 : memref<1x1x112x256xf32, #tpu.memory_space<hbm>> -> memref<112x256xf32, #tpu.memory_space<hbm>>
        tpu.wait_dma2 semaphore(%arg14 : memref<!tpu.dma_semaphore, #tpu.memory_space<semaphore_mem>>) src(%dma_wait3A_236 : memref<112x256xf32, #tpu.memory_space<hbm>>) dst(%dma_wait3A_232 : memref<112x256xf32, #tpu.memory_space<vmem>>)
      } else {
      }
      %dma_wait3A_139 = arith.constant 0 : i32
      %dma_wait3A_140 = arith.constant 0 : i32
      %dma_wait3A_141 = arith.constant 0 : i32
      %dma_wait3A_142 = tpu.memref_slice %arg7[%dma_wait3A_139, %dma_wait3A_140, %dma_wait3A_141] : memref<2x112x100xf32, #tpu.memory_space<vmem>> -> memref<1x112x100xf32, #tpu.memory_space<vmem>>
      %dma_wait3A_143 = tpu.memref_squeeze %dma_wait3A_142 : memref<1x112x100xf32, #tpu.memory_space<vmem>> -> memref<112x100xf32, #tpu.memory_space<vmem>>
      %dma_wait3A_144 = arith.constant 0 : i32
      %dma_wait3A_145 = arith.constant 0 : i32
      %dma_wait3A_146 = tpu.memref_slice %arg2[%select_n3A, %sub3A_101, %dma_wait3A_144, %dma_wait3A_145] : memref<3x224x224x100xf32, #tpu.memory_space<hbm>> -> memref<1x1x112x100xf32, #tpu.memory_space<hbm>>
      %dma_wait3A_147 = tpu.memref_squeeze %dma_wait3A_146 : memref<1x1x112x100xf32, #tpu.memory_space<hbm>> -> memref<112x100xf32, #tpu.memory_space<hbm>>
      %dma_wait3A_148 = arith.constant 0 : i32
      %dma_wait3A_149 = arith.constant 0 : i32
      %dma_wait3A_150 = tpu.memref_slice %arg7[%dma_wait3A_139, %dma_wait3A_148, %dma_wait3A_149] : memref<2x112x100xf32, #tpu.memory_space<vmem>> -> memref<1x112x100xf32, #tpu.memory_space<vmem>>
      %dma_wait3A_151 = tpu.memref_squeeze %dma_wait3A_150 : memref<1x112x100xf32, #tpu.memory_space<vmem>> -> memref<112x100xf32, #tpu.memory_space<vmem>>
      %dma_wait3A_152 = arith.constant 0 : i32
      %dma_wait3A_153 = arith.constant 0 : i32
      %dma_wait3A_154 = tpu.memref_slice %arg2[%select_n3A, %sub3A_101, %dma_wait3A_152, %dma_wait3A_153] : memref<3x224x224x100xf32, #tpu.memory_space<hbm>> -> memref<1x1x112x100xf32, #tpu.memory_space<hbm>>
      %dma_wait3A_155 = tpu.memref_squeeze %dma_wait3A_154 : memref<1x1x112x100xf32, #tpu.memory_space<hbm>> -> memref<112x100xf32, #tpu.memory_space<hbm>>
      tpu.wait_dma2 semaphore(%arg12 : memref<!tpu.dma_semaphore, #tpu.memory_space<semaphore_mem>>) src(%dma_wait3A_155 : memref<112x100xf32, #tpu.memory_space<hbm>>) dst(%dma_wait3A_151 : memref<112x100xf32, #tpu.memory_space<vmem>>)
      %parallel_loop3A = arith.constant 0 : i32
      %parallel_loop3A_156 = arith.constant 112 : i32
      %parallel_loop3A_157 = arith.constant 1 : i32
      scf.for %parallel_loop3A_218 = %parallel_loop3A to %parallel_loop3A_156 step %parallel_loop3A_157  : i32 {
        %parallel_loop3A_219 = vector.broadcast %parallel_loop3A_218 : i32 to vector<16xi32>
        %parallel_loop3A_220 = arith.addi %broadcast_in_dim3A_34, %parallel_loop3A_219 : vector<16xi32>
        %parallel_loop3A_221 = arith.constant 0 : i32
        %parallel_loop3A_222 = arith.constant 0 : i32
        %parallel_loop3A_223 = arith.constant 0 : i32
        %parallel_loop3A_224 = tpu.memref_slice %arg7[%parallel_loop3A_221, %parallel_loop3A_222, %parallel_loop3A_223] : memref<2x112x100xf32, #tpu.memory_space<vmem>> -> memref<1x112x100xf32, #tpu.memory_space<vmem>>
        %parallel_loop3A_225 = tpu.memref_squeeze %parallel_loop3A_224 : memref<1x112x100xf32, #tpu.memory_space<vmem>> -> memref<112x100xf32, #tpu.memory_space<vmem>>
        %parallel_loop3A_226 = tpu.vector_load_idx %parallel_loop3A_225[%parallel_loop3A_220, %get3A_3] : memref<112x100xf32, #tpu.memory_space<vmem>>[vector<16xi32>, vector<16xi32>], vector<16xf32>,
        %parallel_loop3A_227 = arith.constant 0 : i32
        %parallel_loop3A_228 = arith.index_cast %parallel_loop3A_227 : i32 to index
        %parallel_loop3A_229 = arith.index_cast %parallel_loop3A_218 : i32 to index
        %parallel_loop3A_230 = arith.constant 0 : index
        %parallel_loop3A_231 = tpu.vector_load %arg8[%parallel_loop3A_228, %parallel_loop3A_229, %parallel_loop3A_230] {strides = array<i32>} : memref<2x112x256xf32, #tpu.memory_space<vmem>>, vector<16xf32>,
        tpu.vector_store %arg8[%parallel_loop3A_228, %parallel_loop3A_229, %parallel_loop3A_230], %parallel_loop3A_226 {strides = array<i32>} : memref<2x112x256xf32, #tpu.memory_space<vmem>>, vector<16xf32>,
        %parallel_loop3A_232 = arith.constant 0 : i32
        %parallel_loop3A_233 = arith.constant 0 : i32
        %parallel_loop3A_234 = arith.constant 0 : i32
        %parallel_loop3A_235 = tpu.memref_slice %arg7[%parallel_loop3A_232, %parallel_loop3A_233, %parallel_loop3A_234] : memref<2x112x100xf32, #tpu.memory_space<vmem>> -> memref<1x112x100xf32, #tpu.memory_space<vmem>>
        %parallel_loop3A_236 = tpu.memref_squeeze %parallel_loop3A_235 : memref<1x112x100xf32, #tpu.memory_space<vmem>> -> memref<112x100xf32, #tpu.memory_space<vmem>>
        %parallel_loop3A_237 = tpu.vector_load_idx %parallel_loop3A_236[%parallel_loop3A_220, %get3A_5] : memref<112x100xf32, #tpu.memory_space<vmem>>[vector<16xi32>, vector<16xi32>], vector<16xf32>,
        %parallel_loop3A_238 = arith.constant 0 : i32
        %parallel_loop3A_239 = arith.index_cast %parallel_loop3A_238 : i32 to index
        %parallel_loop3A_240 = arith.index_cast %parallel_loop3A_218 : i32 to index
        %parallel_loop3A_241 = arith.constant 16 : index
        %parallel_loop3A_242 = tpu.vector_load %arg8[%parallel_loop3A_239, %parallel_loop3A_240, %parallel_loop3A_241] {strides = array<i32>} : memref<2x112x256xf32, #tpu.memory_space<vmem>>, vector<16xf32>,
        tpu.vector_store %arg8[%parallel_loop3A_239, %parallel_loop3A_240, %parallel_loop3A_241], %parallel_loop3A_237 {strides = array<i32>} : memref<2x112x256xf32, #tpu.memory_space<vmem>>, vector<16xf32>,
        %parallel_loop3A_243 = arith.constant 0 : i32
        %parallel_loop3A_244 = arith.constant 0 : i32
        %parallel_loop3A_245 = arith.constant 0 : i32
        %parallel_loop3A_246 = tpu.memref_slice %arg7[%parallel_loop3A_243, %parallel_loop3A_244, %parallel_loop3A_245] : memref<2x112x100xf32, #tpu.memory_space<vmem>> -> memref<1x112x100xf32, #tpu.memory_space<vmem>>
        %parallel_loop3A_247 = tpu.memref_squeeze %parallel_loop3A_246 : memref<1x112x100xf32, #tpu.memory_space<vmem>> -> memref<112x100xf32, #tpu.memory_space<vmem>>
        %parallel_loop3A_248 = tpu.vector_load_idx %parallel_loop3A_247[%parallel_loop3A_220, %get3A_7] : memref<112x100xf32, #tpu.memory_space<vmem>>[vector<16xi32>, vector<16xi32>], vector<16xf32>,
        %parallel_loop3A_249 = arith.constant 0 : i32
        %parallel_loop3A_250 = arith.index_cast %parallel_loop3A_249 : i32 to index
        %parallel_loop3A_251 = arith.index_cast %parallel_loop3A_218 : i32 to index
        %parallel_loop3A_252 = arith.constant 32 : index
        %parallel_loop3A_253 = tpu.vector_load %arg8[%parallel_loop3A_250, %parallel_loop3A_251, %parallel_loop3A_252] {strides = array<i32>} : memref<2x112x256xf32, #tpu.memory_space<vmem>>, vector<16xf32>,
        tpu.vector_store %arg8[%parallel_loop3A_250, %parallel_loop3A_251, %parallel_loop3A_252], %parallel_loop3A_248 {strides = array<i32>} : memref<2x112x256xf32, #tpu.memory_space<vmem>>, vector<16xf32>,
        %parallel_loop3A_254 = arith.constant 0 : i32
        %parallel_loop3A_255 = arith.constant 0 : i32
        %parallel_loop3A_256 = arith.constant 0 : i32
        %parallel_loop3A_257 = tpu.memref_slice %arg7[%parallel_loop3A_254, %parallel_loop3A_255, %parallel_loop3A_256] : memref<2x112x100xf32, #tpu.memory_space<vmem>> -> memref<1x112x100xf32, #tpu.memory_space<vmem>>
        %parallel_loop3A_258 = tpu.memref_squeeze %parallel_loop3A_257 : memref<1x112x100xf32, #tpu.memory_space<vmem>> -> memref<112x100xf32, #tpu.memory_space<vmem>>
        %parallel_loop3A_259 = tpu.vector_load_idx %parallel_loop3A_258[%parallel_loop3A_220, %get3A_9] : memref<112x100xf32, #tpu.memory_space<vmem>>[vector<16xi32>, vector<16xi32>], vector<16xf32>,
        %parallel_loop3A_260 = arith.constant 0 : i32
        %parallel_loop3A_261 = arith.index_cast %parallel_loop3A_260 : i32 to index
        %parallel_loop3A_262 = arith.index_cast %parallel_loop3A_218 : i32 to index
        %parallel_loop3A_263 = arith.constant 48 : index
        %parallel_loop3A_264 = tpu.vector_load %arg8[%parallel_loop3A_261, %parallel_loop3A_262, %parallel_loop3A_263] {strides = array<i32>} : memref<2x112x256xf32, #tpu.memory_space<vmem>>, vector<16xf32>,
        tpu.vector_store %arg8[%parallel_loop3A_261, %parallel_loop3A_262, %parallel_loop3A_263], %parallel_loop3A_259 {strides = array<i32>} : memref<2x112x256xf32, #tpu.memory_space<vmem>>, vector<16xf32>,
        %parallel_loop3A_265 = arith.constant 0 : i32
        %parallel_loop3A_266 = arith.constant 0 : i32
        %parallel_loop3A_267 = arith.constant 0 : i32
        %parallel_loop3A_268 = tpu.memref_slice %arg7[%parallel_loop3A_265, %parallel_loop3A_266, %parallel_loop3A_267] : memref<2x112x100xf32, #tpu.memory_space<vmem>> -> memref<1x112x100xf32, #tpu.memory_space<vmem>>
        %parallel_loop3A_269 = tpu.memref_squeeze %parallel_loop3A_268 : memref<1x112x100xf32, #tpu.memory_space<vmem>> -> memref<112x100xf32, #tpu.memory_space<vmem>>
        %parallel_loop3A_270 = tpu.vector_load_idx %parallel_loop3A_269[%parallel_loop3A_220, %get3A_11] : memref<112x100xf32, #tpu.memory_space<vmem>>[vector<16xi32>, vector<16xi32>], vector<16xf32>,
        %parallel_loop3A_271 = arith.constant 0 : i32
        %parallel_loop3A_272 = arith.index_cast %parallel_loop3A_271 : i32 to index
        %parallel_loop3A_273 = arith.index_cast %parallel_loop3A_218 : i32 to index
        %parallel_loop3A_274 = arith.constant 64 : index
        %parallel_loop3A_275 = tpu.vector_load %arg8[%parallel_loop3A_272, %parallel_loop3A_273, %parallel_loop3A_274] {strides = array<i32>} : memref<2x112x256xf32, #tpu.memory_space<vmem>>, vector<16xf32>,
        tpu.vector_store %arg8[%parallel_loop3A_272, %parallel_loop3A_273, %parallel_loop3A_274], %parallel_loop3A_270 {strides = array<i32>} : memref<2x112x256xf32, #tpu.memory_space<vmem>>, vector<16xf32>,
        %parallel_loop3A_276 = arith.constant 0 : i32
        %parallel_loop3A_277 = arith.constant 0 : i32
        %parallel_loop3A_278 = arith.constant 0 : i32
        %parallel_loop3A_279 = tpu.memref_slice %arg7[%parallel_loop3A_276, %parallel_loop3A_277, %parallel_loop3A_278] : memref<2x112x100xf32, #tpu.memory_space<vmem>> -> memref<1x112x100xf32, #tpu.memory_space<vmem>>
        %parallel_loop3A_280 = tpu.memref_squeeze %parallel_loop3A_279 : memref<1x112x100xf32, #tpu.memory_space<vmem>> -> memref<112x100xf32, #tpu.memory_space<vmem>>
        %parallel_loop3A_281 = tpu.vector_load_idx %parallel_loop3A_280[%parallel_loop3A_220, %get3A_13] : memref<112x100xf32, #tpu.memory_space<vmem>>[vector<16xi32>, vector<16xi32>], vector<16xf32>,
        %parallel_loop3A_282 = arith.constant 0 : i32
        %parallel_loop3A_283 = arith.index_cast %parallel_loop3A_282 : i32 to index
        %parallel_loop3A_284 = arith.index_cast %parallel_loop3A_218 : i32 to index
        %parallel_loop3A_285 = arith.constant 80 : index
        %parallel_loop3A_286 = tpu.vector_load %arg8[%parallel_loop3A_283, %parallel_loop3A_284, %parallel_loop3A_285] {strides = array<i32>} : memref<2x112x256xf32, #tpu.memory_space<vmem>>, vector<16xf32>,
        tpu.vector_store %arg8[%parallel_loop3A_283, %parallel_loop3A_284, %parallel_loop3A_285], %parallel_loop3A_281 {strides = array<i32>} : memref<2x112x256xf32, #tpu.memory_space<vmem>>, vector<16xf32>,
        %parallel_loop3A_287 = arith.constant 0 : i32
        %parallel_loop3A_288 = arith.constant 0 : i32
        %parallel_loop3A_289 = arith.constant 0 : i32
        %parallel_loop3A_290 = tpu.memref_slice %arg7[%parallel_loop3A_287, %parallel_loop3A_288, %parallel_loop3A_289] : memref<2x112x100xf32, #tpu.memory_space<vmem>> -> memref<1x112x100xf32, #tpu.memory_space<vmem>>
        %parallel_loop3A_291 = tpu.memref_squeeze %parallel_loop3A_290 : memref<1x112x100xf32, #tpu.memory_space<vmem>> -> memref<112x100xf32, #tpu.memory_space<vmem>>
        %parallel_loop3A_292 = tpu.vector_load_idx %parallel_loop3A_291[%parallel_loop3A_220, %get3A_15] : memref<112x100xf32, #tpu.memory_space<vmem>>[vector<16xi32>, vector<16xi32>], vector<16xf32>,
        %parallel_loop3A_293 = arith.constant 0 : i32
        %parallel_loop3A_294 = arith.index_cast %parallel_loop3A_293 : i32 to index
        %parallel_loop3A_295 = arith.index_cast %parallel_loop3A_218 : i32 to index
        %parallel_loop3A_296 = arith.constant 96 : index
        %parallel_loop3A_297 = tpu.vector_load %arg8[%parallel_loop3A_294, %parallel_loop3A_295, %parallel_loop3A_296] {strides = array<i32>} : memref<2x112x256xf32, #tpu.memory_space<vmem>>, vector<16xf32>,
        tpu.vector_store %arg8[%parallel_loop3A_294, %parallel_loop3A_295, %parallel_loop3A_296], %parallel_loop3A_292 {strides = array<i32>} : memref<2x112x256xf32, #tpu.memory_space<vmem>>, vector<16xf32>,
        %parallel_loop3A_298 = arith.constant 0 : i32
        %parallel_loop3A_299 = arith.constant 0 : i32
        %parallel_loop3A_300 = arith.constant 0 : i32
        %parallel_loop3A_301 = tpu.memref_slice %arg7[%parallel_loop3A_298, %parallel_loop3A_299, %parallel_loop3A_300] : memref<2x112x100xf32, #tpu.memory_space<vmem>> -> memref<1x112x100xf32, #tpu.memory_space<vmem>>
        %parallel_loop3A_302 = tpu.memref_squeeze %parallel_loop3A_301 : memref<1x112x100xf32, #tpu.memory_space<vmem>> -> memref<112x100xf32, #tpu.memory_space<vmem>>
        %parallel_loop3A_303 = tpu.vector_load_idx %parallel_loop3A_302[%parallel_loop3A_220, %get3A_17] : memref<112x100xf32, #tpu.memory_space<vmem>>[vector<16xi32>, vector<16xi32>], vector<16xf32>,
        %parallel_loop3A_304 = arith.constant 0 : i32
        %parallel_loop3A_305 = arith.index_cast %parallel_loop3A_304 : i32 to index
        %parallel_loop3A_306 = arith.index_cast %parallel_loop3A_218 : i32 to index
        %parallel_loop3A_307 = arith.constant 112 : index
        %parallel_loop3A_308 = tpu.vector_load %arg8[%parallel_loop3A_305, %parallel_loop3A_306, %parallel_loop3A_307] {strides = array<i32>} : memref<2x112x256xf32, #tpu.memory_space<vmem>>, vector<16xf32>,
        tpu.vector_store %arg8[%parallel_loop3A_305, %parallel_loop3A_306, %parallel_loop3A_307], %parallel_loop3A_303 {strides = array<i32>} : memref<2x112x256xf32, #tpu.memory_space<vmem>>, vector<16xf32>,
        %parallel_loop3A_309 = arith.constant 0 : i32
        %parallel_loop3A_310 = arith.constant 0 : i32
        %parallel_loop3A_311 = arith.constant 0 : i32
        %parallel_loop3A_312 = tpu.memref_slice %arg7[%parallel_loop3A_309, %parallel_loop3A_310, %parallel_loop3A_311] : memref<2x112x100xf32, #tpu.memory_space<vmem>> -> memref<1x112x100xf32, #tpu.memory_space<vmem>>
        %parallel_loop3A_313 = tpu.memref_squeeze %parallel_loop3A_312 : memref<1x112x100xf32, #tpu.memory_space<vmem>> -> memref<112x100xf32, #tpu.memory_space<vmem>>
        %parallel_loop3A_314 = tpu.vector_load_idx %parallel_loop3A_313[%parallel_loop3A_220, %get3A_19] : memref<112x100xf32, #tpu.memory_space<vmem>>[vector<16xi32>, vector<16xi32>], vector<16xf32>,
        %parallel_loop3A_315 = arith.constant 0 : i32
        %parallel_loop3A_316 = arith.index_cast %parallel_loop3A_315 : i32 to index
        %parallel_loop3A_317 = arith.index_cast %parallel_loop3A_218 : i32 to index
        %parallel_loop3A_318 = arith.constant 128 : index
        %parallel_loop3A_319 = tpu.vector_load %arg8[%parallel_loop3A_316, %parallel_loop3A_317, %parallel_loop3A_318] {strides = array<i32>} : memref<2x112x256xf32, #tpu.memory_space<vmem>>, vector<16xf32>,
        tpu.vector_store %arg8[%parallel_loop3A_316, %parallel_loop3A_317, %parallel_loop3A_318], %parallel_loop3A_314 {strides = array<i32>} : memref<2x112x256xf32, #tpu.memory_space<vmem>>, vector<16xf32>,
        %parallel_loop3A_320 = arith.constant 0 : i32
        %parallel_loop3A_321 = arith.constant 0 : i32
        %parallel_loop3A_322 = arith.constant 0 : i32
        %parallel_loop3A_323 = tpu.memref_slice %arg7[%parallel_loop3A_320, %parallel_loop3A_321, %parallel_loop3A_322] : memref<2x112x100xf32, #tpu.memory_space<vmem>> -> memref<1x112x100xf32, #tpu.memory_space<vmem>>
        %parallel_loop3A_324 = tpu.memref_squeeze %parallel_loop3A_323 : memref<1x112x100xf32, #tpu.memory_space<vmem>> -> memref<112x100xf32, #tpu.memory_space<vmem>>
        %parallel_loop3A_325 = tpu.vector_load_idx %parallel_loop3A_324[%parallel_loop3A_220, %get3A_21] : memref<112x100xf32, #tpu.memory_space<vmem>>[vector<16xi32>, vector<16xi32>], vector<16xf32>,
        %parallel_loop3A_326 = arith.constant 0 : i32
        %parallel_loop3A_327 = arith.index_cast %parallel_loop3A_326 : i32 to index
        %parallel_loop3A_328 = arith.index_cast %parallel_loop3A_218 : i32 to index
        %parallel_loop3A_329 = arith.constant 144 : index
        %parallel_loop3A_330 = tpu.vector_load %arg8[%parallel_loop3A_327, %parallel_loop3A_328, %parallel_loop3A_329] {strides = array<i32>} : memref<2x112x256xf32, #tpu.memory_space<vmem>>, vector<16xf32>,
        tpu.vector_store %arg8[%parallel_loop3A_327, %parallel_loop3A_328, %parallel_loop3A_329], %parallel_loop3A_325 {strides = array<i32>} : memref<2x112x256xf32, #tpu.memory_space<vmem>>, vector<16xf32>,
        %parallel_loop3A_331 = arith.constant 0 : i32
        %parallel_loop3A_332 = arith.constant 0 : i32
        %parallel_loop3A_333 = arith.constant 0 : i32
        %parallel_loop3A_334 = tpu.memref_slice %arg7[%parallel_loop3A_331, %parallel_loop3A_332, %parallel_loop3A_333] : memref<2x112x100xf32, #tpu.memory_space<vmem>> -> memref<1x112x100xf32, #tpu.memory_space<vmem>>
        %parallel_loop3A_335 = tpu.memref_squeeze %parallel_loop3A_334 : memref<1x112x100xf32, #tpu.memory_space<vmem>> -> memref<112x100xf32, #tpu.memory_space<vmem>>
        %parallel_loop3A_336 = tpu.vector_load_idx %parallel_loop3A_335[%parallel_loop3A_220, %get3A_23] : memref<112x100xf32, #tpu.memory_space<vmem>>[vector<16xi32>, vector<16xi32>], vector<16xf32>,
        %parallel_loop3A_337 = arith.constant 0 : i32
        %parallel_loop3A_338 = arith.index_cast %parallel_loop3A_337 : i32 to index
        %parallel_loop3A_339 = arith.index_cast %parallel_loop3A_218 : i32 to index
        %parallel_loop3A_340 = arith.constant 160 : index
        %parallel_loop3A_341 = tpu.vector_load %arg8[%parallel_loop3A_338, %parallel_loop3A_339, %parallel_loop3A_340] {strides = array<i32>} : memref<2x112x256xf32, #tpu.memory_space<vmem>>, vector<16xf32>,
        tpu.vector_store %arg8[%parallel_loop3A_338, %parallel_loop3A_339, %parallel_loop3A_340], %parallel_loop3A_336 {strides = array<i32>} : memref<2x112x256xf32, #tpu.memory_space<vmem>>, vector<16xf32>,
        %parallel_loop3A_342 = arith.constant 0 : i32
        %parallel_loop3A_343 = arith.constant 0 : i32
        %parallel_loop3A_344 = arith.constant 0 : i32
        %parallel_loop3A_345 = tpu.memref_slice %arg7[%parallel_loop3A_342, %parallel_loop3A_343, %parallel_loop3A_344] : memref<2x112x100xf32, #tpu.memory_space<vmem>> -> memref<1x112x100xf32, #tpu.memory_space<vmem>>
        %parallel_loop3A_346 = tpu.memref_squeeze %parallel_loop3A_345 : memref<1x112x100xf32, #tpu.memory_space<vmem>> -> memref<112x100xf32, #tpu.memory_space<vmem>>
        %parallel_loop3A_347 = tpu.vector_load_idx %parallel_loop3A_346[%parallel_loop3A_220, %get3A_25] : memref<112x100xf32, #tpu.memory_space<vmem>>[vector<16xi32>, vector<16xi32>], vector<16xf32>,
        %parallel_loop3A_348 = arith.constant 0 : i32
        %parallel_loop3A_349 = arith.index_cast %parallel_loop3A_348 : i32 to index
        %parallel_loop3A_350 = arith.index_cast %parallel_loop3A_218 : i32 to index
        %parallel_loop3A_351 = arith.constant 176 : index
        %parallel_loop3A_352 = tpu.vector_load %arg8[%parallel_loop3A_349, %parallel_loop3A_350, %parallel_loop3A_351] {strides = array<i32>} : memref<2x112x256xf32, #tpu.memory_space<vmem>>, vector<16xf32>,
        tpu.vector_store %arg8[%parallel_loop3A_349, %parallel_loop3A_350, %parallel_loop3A_351], %parallel_loop3A_347 {strides = array<i32>} : memref<2x112x256xf32, #tpu.memory_space<vmem>>, vector<16xf32>,
        %parallel_loop3A_353 = arith.constant 0 : i32
        %parallel_loop3A_354 = arith.constant 0 : i32
        %parallel_loop3A_355 = arith.constant 0 : i32
        %parallel_loop3A_356 = tpu.memref_slice %arg7[%parallel_loop3A_353, %parallel_loop3A_354, %parallel_loop3A_355] : memref<2x112x100xf32, #tpu.memory_space<vmem>> -> memref<1x112x100xf32, #tpu.memory_space<vmem>>
        %parallel_loop3A_357 = tpu.memref_squeeze %parallel_loop3A_356 : memref<1x112x100xf32, #tpu.memory_space<vmem>> -> memref<112x100xf32, #tpu.memory_space<vmem>>
        %parallel_loop3A_358 = tpu.vector_load_idx %parallel_loop3A_357[%parallel_loop3A_220, %get3A_27] : memref<112x100xf32, #tpu.memory_space<vmem>>[vector<16xi32>, vector<16xi32>], vector<16xf32>,
        %parallel_loop3A_359 = arith.constant 0 : i32
        %parallel_loop3A_360 = arith.index_cast %parallel_loop3A_359 : i32 to index
        %parallel_loop3A_361 = arith.index_cast %parallel_loop3A_218 : i32 to index
        %parallel_loop3A_362 = arith.constant 192 : index
        %parallel_loop3A_363 = tpu.vector_load %arg8[%parallel_loop3A_360, %parallel_loop3A_361, %parallel_loop3A_362] {strides = array<i32>} : memref<2x112x256xf32, #tpu.memory_space<vmem>>, vector<16xf32>,
        tpu.vector_store %arg8[%parallel_loop3A_360, %parallel_loop3A_361, %parallel_loop3A_362], %parallel_loop3A_358 {strides = array<i32>} : memref<2x112x256xf32, #tpu.memory_space<vmem>>, vector<16xf32>,
        %parallel_loop3A_364 = arith.constant 0 : i32
        %parallel_loop3A_365 = arith.constant 0 : i32
        %parallel_loop3A_366 = arith.constant 0 : i32
        %parallel_loop3A_367 = tpu.memref_slice %arg7[%parallel_loop3A_364, %parallel_loop3A_365, %parallel_loop3A_366] : memref<2x112x100xf32, #tpu.memory_space<vmem>> -> memref<1x112x100xf32, #tpu.memory_space<vmem>>
        %parallel_loop3A_368 = tpu.memref_squeeze %parallel_loop3A_367 : memref<1x112x100xf32, #tpu.memory_space<vmem>> -> memref<112x100xf32, #tpu.memory_space<vmem>>
        %parallel_loop3A_369 = tpu.vector_load_idx %parallel_loop3A_368[%parallel_loop3A_220, %get3A_29] : memref<112x100xf32, #tpu.memory_space<vmem>>[vector<16xi32>, vector<16xi32>], vector<16xf32>,
        %parallel_loop3A_370 = arith.constant 0 : i32
        %parallel_loop3A_371 = arith.index_cast %parallel_loop3A_370 : i32 to index
        %parallel_loop3A_372 = arith.index_cast %parallel_loop3A_218 : i32 to index
        %parallel_loop3A_373 = arith.constant 208 : index
        %parallel_loop3A_374 = tpu.vector_load %arg8[%parallel_loop3A_371, %parallel_loop3A_372, %parallel_loop3A_373] {strides = array<i32>} : memref<2x112x256xf32, #tpu.memory_space<vmem>>, vector<16xf32>,
        tpu.vector_store %arg8[%parallel_loop3A_371, %parallel_loop3A_372, %parallel_loop3A_373], %parallel_loop3A_369 {strides = array<i32>} : memref<2x112x256xf32, #tpu.memory_space<vmem>>, vector<16xf32>,
        %parallel_loop3A_375 = arith.constant 0 : i32
        %parallel_loop3A_376 = arith.constant 0 : i32
        %parallel_loop3A_377 = arith.constant 0 : i32
        %parallel_loop3A_378 = tpu.memref_slice %arg7[%parallel_loop3A_375, %parallel_loop3A_376, %parallel_loop3A_377] : memref<2x112x100xf32, #tpu.memory_space<vmem>> -> memref<1x112x100xf32, #tpu.memory_space<vmem>>
        %parallel_loop3A_379 = tpu.memref_squeeze %parallel_loop3A_378 : memref<1x112x100xf32, #tpu.memory_space<vmem>> -> memref<112x100xf32, #tpu.memory_space<vmem>>
        %parallel_loop3A_380 = tpu.vector_load_idx %parallel_loop3A_379[%parallel_loop3A_220, %get3A_31] : memref<112x100xf32, #tpu.memory_space<vmem>>[vector<16xi32>, vector<16xi32>], vector<16xf32>,
        %parallel_loop3A_381 = arith.constant 0 : i32
        %parallel_loop3A_382 = arith.index_cast %parallel_loop3A_381 : i32 to index
        %parallel_loop3A_383 = arith.index_cast %parallel_loop3A_218 : i32 to index
        %parallel_loop3A_384 = arith.constant 224 : index
        %parallel_loop3A_385 = tpu.vector_load %arg8[%parallel_loop3A_382, %parallel_loop3A_383, %parallel_loop3A_384] {strides = array<i32>} : memref<2x112x256xf32, #tpu.memory_space<vmem>>, vector<16xf32>,
        tpu.vector_store %arg8[%parallel_loop3A_382, %parallel_loop3A_383, %parallel_loop3A_384], %parallel_loop3A_380 {strides = array<i32>} : memref<2x112x256xf32, #tpu.memory_space<vmem>>, vector<16xf32>,
        %parallel_loop3A_386 = arith.constant 0 : i32
        %parallel_loop3A_387 = arith.constant 0 : i32
        %parallel_loop3A_388 = arith.constant 0 : i32
        %parallel_loop3A_389 = tpu.memref_slice %arg7[%parallel_loop3A_386, %parallel_loop3A_387, %parallel_loop3A_388] : memref<2x112x100xf32, #tpu.memory_space<vmem>> -> memref<1x112x100xf32, #tpu.memory_space<vmem>>
        %parallel_loop3A_390 = tpu.memref_squeeze %parallel_loop3A_389 : memref<1x112x100xf32, #tpu.memory_space<vmem>> -> memref<112x100xf32, #tpu.memory_space<vmem>>
        %parallel_loop3A_391 = tpu.vector_load_idx %parallel_loop3A_390[%parallel_loop3A_220, %get3A_33] : memref<112x100xf32, #tpu.memory_space<vmem>>[vector<16xi32>, vector<16xi32>], vector<16xf32>,
        %parallel_loop3A_392 = arith.constant 0 : i32
        %parallel_loop3A_393 = arith.index_cast %parallel_loop3A_392 : i32 to index
        %parallel_loop3A_394 = arith.index_cast %parallel_loop3A_218 : i32 to index
        %parallel_loop3A_395 = arith.constant 240 : index
        %parallel_loop3A_396 = tpu.vector_load %arg8[%parallel_loop3A_393, %parallel_loop3A_394, %parallel_loop3A_395] {strides = array<i32>} : memref<2x112x256xf32, #tpu.memory_space<vmem>>, vector<16xf32>,
        tpu.vector_store %arg8[%parallel_loop3A_393, %parallel_loop3A_394, %parallel_loop3A_395], %parallel_loop3A_391 {strides = array<i32>} : memref<2x112x256xf32, #tpu.memory_space<vmem>>, vector<16xf32>,
      } {sc.loop_unroll_factor = 2 : i64, sc.parallel_access}
      %dma_start3A_158 = arith.constant 0 : i32
      %dma_start3A_159 = arith.constant 0 : i32
      %dma_start3A_160 = arith.constant 0 : i32
      %dma_start3A_161 = tpu.memref_slice %arg8[%dma_start3A_158, %dma_start3A_159, %dma_start3A_160] : memref<2x112x256xf32, #tpu.memory_space<vmem>> -> memref<1x112x256xf32, #tpu.memory_space<vmem>>
      %dma_start3A_162 = tpu.memref_squeeze %dma_start3A_161 : memref<1x112x256xf32, #tpu.memory_space<vmem>> -> memref<112x256xf32, #tpu.memory_space<vmem>>
      %dma_start3A_163 = arith.constant 0 : i32
      %dma_start3A_164 = arith.constant 0 : i32
      %dma_start3A_165 = tpu.memref_slice %arg5[%select_n3A, %sub3A_101, %dma_start3A_163, %dma_start3A_164] : memref<3x224x224x256xf32, #tpu.memory_space<hbm>> -> memref<1x1x112x256xf32, #tpu.memory_space<hbm>>
      %dma_start3A_166 = tpu.memref_squeeze %dma_start3A_165 : memref<1x1x112x256xf32, #tpu.memory_space<hbm>> -> memref<112x256xf32, #tpu.memory_space<hbm>>
      %dma_start3A_167 = arith.constant 0 : i32
      %dma_start3A_168 = arith.constant 0 : i32
      %dma_start3A_169 = tpu.memref_slice %arg5[%select_n3A, %sub3A_101, %dma_start3A_167, %dma_start3A_168] : memref<3x224x224x256xf32, #tpu.memory_space<hbm>> -> memref<1x1x112x256xf32, #tpu.memory_space<hbm>>
      %dma_start3A_170 = tpu.memref_squeeze %dma_start3A_169 : memref<1x1x112x256xf32, #tpu.memory_space<hbm>> -> memref<112x256xf32, #tpu.memory_space<hbm>>
      %dma_start3A_171 = arith.constant 0 : i32
      %dma_start3A_172 = arith.constant 0 : i32
      %dma_start3A_173 = tpu.memref_slice %arg8[%dma_start3A_158, %dma_start3A_171, %dma_start3A_172] : memref<2x112x256xf32, #tpu.memory_space<vmem>> -> memref<1x112x256xf32, #tpu.memory_space<vmem>>
      %dma_start3A_174 = tpu.memref_squeeze %dma_start3A_173 : memref<1x112x256xf32, #tpu.memory_space<vmem>> -> memref<112x256xf32, #tpu.memory_space<vmem>>
      tpu.enqueue_dma source(%dma_start3A_174 : memref<112x256xf32, #tpu.memory_space<vmem>>) target(%dma_start3A_170 : memref<112x256xf32, #tpu.memory_space<hbm>>) target_semaphore(%arg14 : memref<!tpu.dma_semaphore, #tpu.memory_space<semaphore_mem>>)
      %gt3A_175 = arith.constant 0 : i32
      %gt3A_176 = arith.cmpi sgt, %scan3A_78, %gt3A_175 : i32
      %convert_element_type3A_177 = arith.extui %gt3A_176 : i1 to i32
      %cond3A_178 = arith.constant 0 : i32
      %cond3A_179 = arith.cmpi ne, %convert_element_type3A_177, %cond3A_178 : i32
      scf.if %cond3A_179 {
        %dma_wait3A_218 = arith.constant 0 : i32
        %dma_wait3A_219 = arith.constant 0 : i32
        %dma_wait3A_220 = arith.constant 1 : i32
        %dma_wait3A_221 = arith.constant 0 : i32
        %dma_wait3A_222 = arith.constant 0 : i32
        %dma_wait3A_223 = tpu.memref_slice %arg8[%dma_wait3A_220, %dma_wait3A_221, %dma_wait3A_222] : memref<2x112x256xf32, #tpu.memory_space<vmem>> -> memref<1x112x256xf32, #tpu.memory_space<vmem>>
        %dma_wait3A_224 = tpu.memref_squeeze %dma_wait3A_223 : memref<1x112x256xf32, #tpu.memory_space<vmem>> -> memref<112x256xf32, #tpu.memory_space<vmem>>
        %dma_wait3A_225 = arith.constant 0 : i32
        %dma_wait3A_226 = arith.constant 0 : i32
        %dma_wait3A_227 = tpu.memref_slice %arg5[%dma_wait3A_218, %dma_wait3A_219, %dma_wait3A_225, %dma_wait3A_226] : memref<3x224x224x256xf32, #tpu.memory_space<hbm>> -> memref<1x1x112x256xf32, #tpu.memory_space<hbm>>
        %dma_wait3A_228 = tpu.memref_squeeze %dma_wait3A_227 : memref<1x1x112x256xf32, #tpu.memory_space<hbm>> -> memref<112x256xf32, #tpu.memory_space<hbm>>
        %dma_wait3A_229 = arith.constant 0 : i32
        %dma_wait3A_230 = arith.constant 0 : i32
        %dma_wait3A_231 = tpu.memref_slice %arg8[%dma_wait3A_220, %dma_wait3A_229, %dma_wait3A_230] : memref<2x112x256xf32, #tpu.memory_space<vmem>> -> memref<1x112x256xf32, #tpu.memory_space<vmem>>
        %dma_wait3A_232 = tpu.memref_squeeze %dma_wait3A_231 : memref<1x112x256xf32, #tpu.memory_space<vmem>> -> memref<112x256xf32, #tpu.memory_space<vmem>>
        %dma_wait3A_233 = arith.constant 0 : i32
        %dma_wait3A_234 = arith.constant 0 : i32
        %dma_wait3A_235 = tpu.memref_slice %arg5[%dma_wait3A_218, %dma_wait3A_219, %dma_wait3A_233, %dma_wait3A_234] : memref<3x224x224x256xf32, #tpu.memory_space<hbm>> -> memref<1x1x112x256xf32, #tpu.memory_space<hbm>>
        %dma_wait3A_236 = tpu.memref_squeeze %dma_wait3A_235 : memref<1x1x112x256xf32, #tpu.memory_space<hbm>> -> memref<112x256xf32, #tpu.memory_space<hbm>>
        tpu.wait_dma2 semaphore(%arg15 : memref<!tpu.dma_semaphore, #tpu.memory_space<semaphore_mem>>) src(%dma_wait3A_236 : memref<112x256xf32, #tpu.memory_space<hbm>>) dst(%dma_wait3A_232 : memref<112x256xf32, #tpu.memory_space<vmem>>)
      } else {
      }
      %dma_wait3A_180 = arith.constant 1 : i32
      %dma_wait3A_181 = arith.constant 0 : i32
      %dma_wait3A_182 = arith.constant 0 : i32
      %dma_wait3A_183 = tpu.memref_slice %arg7[%dma_wait3A_180, %dma_wait3A_181, %dma_wait3A_182] : memref<2x112x100xf32, #tpu.memory_space<vmem>> -> memref<1x112x100xf32, #tpu.memory_space<vmem>>
      %dma_wait3A_184 = tpu.memref_squeeze %dma_wait3A_183 : memref<1x112x100xf32, #tpu.memory_space<vmem>> -> memref<112x100xf32, #tpu.memory_space<vmem>>
      %dma_wait3A_185 = arith.constant 112 : i32
      %dma_wait3A_186 = arith.constant 0 : i32
      %dma_wait3A_187 = tpu.memref_slice %arg2[%select_n3A, %sub3A_101, %dma_wait3A_185, %dma_wait3A_186] : memref<3x224x224x100xf32, #tpu.memory_space<hbm>> -> memref<1x1x112x100xf32, #tpu.memory_space<hbm>>
      %dma_wait3A_188 = tpu.memref_squeeze %dma_wait3A_187 : memref<1x1x112x100xf32, #tpu.memory_space<hbm>> -> memref<112x100xf32, #tpu.memory_space<hbm>>
      %dma_wait3A_189 = arith.constant 0 : i32
      %dma_wait3A_190 = arith.constant 0 : i32
      %dma_wait3A_191 = tpu.memref_slice %arg7[%dma_wait3A_180, %dma_wait3A_189, %dma_wait3A_190] : memref<2x112x100xf32, #tpu.memory_space<vmem>> -> memref<1x112x100xf32, #tpu.memory_space<vmem>>
      %dma_wait3A_192 = tpu.memref_squeeze %dma_wait3A_191 : memref<1x112x100xf32, #tpu.memory_space<vmem>> -> memref<112x100xf32, #tpu.memory_space<vmem>>
      %dma_wait3A_193 = arith.constant 112 : i32
      %dma_wait3A_194 = arith.constant 0 : i32
      %dma_wait3A_195 = tpu.memref_slice %arg2[%select_n3A, %sub3A_101, %dma_wait3A_193, %dma_wait3A_194] : memref<3x224x224x100xf32, #tpu.memory_space<hbm>> -> memref<1x1x112x100xf32, #tpu.memory_space<hbm>>
      %dma_wait3A_196 = tpu.memref_squeeze %dma_wait3A_195 : memref<1x1x112x100xf32, #tpu.memory_space<hbm>> -> memref<112x100xf32, #tpu.memory_space<hbm>>
      tpu.wait_dma2 semaphore(%arg13 : memref<!tpu.dma_semaphore, #tpu.memory_space<semaphore_mem>>) src(%dma_wait3A_196 : memref<112x100xf32, #tpu.memory_space<hbm>>) dst(%dma_wait3A_192 : memref<112x100xf32, #tpu.memory_space<vmem>>)
      %parallel_loop3A_197 = arith.constant 0 : i32
      %parallel_loop3A_198 = arith.constant 112 : i32
      %parallel_loop3A_199 = arith.constant 1 : i32
      scf.for %parallel_loop3A_218 = %parallel_loop3A_197 to %parallel_loop3A_198 step %parallel_loop3A_199  : i32 {
        %parallel_loop3A_219 = vector.broadcast %parallel_loop3A_218 : i32 to vector<16xi32>
        %parallel_loop3A_220 = arith.addi %broadcast_in_dim3A_34, %parallel_loop3A_219 : vector<16xi32>
        %parallel_loop3A_221 = arith.constant 1 : i32
        %parallel_loop3A_222 = arith.constant 0 : i32
        %parallel_loop3A_223 = arith.constant 0 : i32
        %parallel_loop3A_224 = tpu.memref_slice %arg7[%parallel_loop3A_221, %parallel_loop3A_222, %parallel_loop3A_223] : memref<2x112x100xf32, #tpu.memory_space<vmem>> -> memref<1x112x100xf32, #tpu.memory_space<vmem>>
        %parallel_loop3A_225 = tpu.memref_squeeze %parallel_loop3A_224 : memref<1x112x100xf32, #tpu.memory_space<vmem>> -> memref<112x100xf32, #tpu.memory_space<vmem>>
        %parallel_loop3A_226 = tpu.vector_load_idx %parallel_loop3A_225[%parallel_loop3A_220, %get3A_3] : memref<112x100xf32, #tpu.memory_space<vmem>>[vector<16xi32>, vector<16xi32>], vector<16xf32>,
        %parallel_loop3A_227 = arith.constant 1 : i32
        %parallel_loop3A_228 = arith.index_cast %parallel_loop3A_227 : i32 to index
        %parallel_loop3A_229 = arith.index_cast %parallel_loop3A_218 : i32 to index
        %parallel_loop3A_230 = arith.constant 0 : index
        %parallel_loop3A_231 = tpu.vector_load %arg8[%parallel_loop3A_228, %parallel_loop3A_229, %parallel_loop3A_230] {strides = array<i32>} : memref<2x112x256xf32, #tpu.memory_space<vmem>>, vector<16xf32>,
        tpu.vector_store %arg8[%parallel_loop3A_228, %parallel_loop3A_229, %parallel_loop3A_230], %parallel_loop3A_226 {strides = array<i32>} : memref<2x112x256xf32, #tpu.memory_space<vmem>>, vector<16xf32>,
        %parallel_loop3A_232 = arith.constant 1 : i32
        %parallel_loop3A_233 = arith.constant 0 : i32
        %parallel_loop3A_234 = arith.constant 0 : i32
        %parallel_loop3A_235 = tpu.memref_slice %arg7[%parallel_loop3A_232, %parallel_loop3A_233, %parallel_loop3A_234] : memref<2x112x100xf32, #tpu.memory_space<vmem>> -> memref<1x112x100xf32, #tpu.memory_space<vmem>>
        %parallel_loop3A_236 = tpu.memref_squeeze %parallel_loop3A_235 : memref<1x112x100xf32, #tpu.memory_space<vmem>> -> memref<112x100xf32, #tpu.memory_space<vmem>>
        %parallel_loop3A_237 = tpu.vector_load_idx %parallel_loop3A_236[%parallel_loop3A_220, %get3A_5] : memref<112x100xf32, #tpu.memory_space<vmem>>[vector<16xi32>, vector<16xi32>], vector<16xf32>,
        %parallel_loop3A_238 = arith.constant 1 : i32
        %parallel_loop3A_239 = arith.index_cast %parallel_loop3A_238 : i32 to index
        %parallel_loop3A_240 = arith.index_cast %parallel_loop3A_218 : i32 to index
        %parallel_loop3A_241 = arith.constant 16 : index
        %parallel_loop3A_242 = tpu.vector_load %arg8[%parallel_loop3A_239, %parallel_loop3A_240, %parallel_loop3A_241] {strides = array<i32>} : memref<2x112x256xf32, #tpu.memory_space<vmem>>, vector<16xf32>,
        tpu.vector_store %arg8[%parallel_loop3A_239, %parallel_loop3A_240, %parallel_loop3A_241], %parallel_loop3A_237 {strides = array<i32>} : memref<2x112x256xf32, #tpu.memory_space<vmem>>, vector<16xf32>,
        %parallel_loop3A_243 = arith.constant 1 : i32
        %parallel_loop3A_244 = arith.constant 0 : i32
        %parallel_loop3A_245 = arith.constant 0 : i32
        %parallel_loop3A_246 = tpu.memref_slice %arg7[%parallel_loop3A_243, %parallel_loop3A_244, %parallel_loop3A_245] : memref<2x112x100xf32, #tpu.memory_space<vmem>> -> memref<1x112x100xf32, #tpu.memory_space<vmem>>
        %parallel_loop3A_247 = tpu.memref_squeeze %parallel_loop3A_246 : memref<1x112x100xf32, #tpu.memory_space<vmem>> -> memref<112x100xf32, #tpu.memory_space<vmem>>
        %parallel_loop3A_248 = tpu.vector_load_idx %parallel_loop3A_247[%parallel_loop3A_220, %get3A_7] : memref<112x100xf32, #tpu.memory_space<vmem>>[vector<16xi32>, vector<16xi32>], vector<16xf32>,
        %parallel_loop3A_249 = arith.constant 1 : i32
        %parallel_loop3A_250 = arith.index_cast %parallel_loop3A_249 : i32 to index
        %parallel_loop3A_251 = arith.index_cast %parallel_loop3A_218 : i32 to index
        %parallel_loop3A_252 = arith.constant 32 : index
        %parallel_loop3A_253 = tpu.vector_load %arg8[%parallel_loop3A_250, %parallel_loop3A_251, %parallel_loop3A_252] {strides = array<i32>} : memref<2x112x256xf32, #tpu.memory_space<vmem>>, vector<16xf32>,
        tpu.vector_store %arg8[%parallel_loop3A_250, %parallel_loop3A_251, %parallel_loop3A_252], %parallel_loop3A_248 {strides = array<i32>} : memref<2x112x256xf32, #tpu.memory_space<vmem>>, vector<16xf32>,
        %parallel_loop3A_254 = arith.constant 1 : i32
        %parallel_loop3A_255 = arith.constant 0 : i32
        %parallel_loop3A_256 = arith.constant 0 : i32
        %parallel_loop3A_257 = tpu.memref_slice %arg7[%parallel_loop3A_254, %parallel_loop3A_255, %parallel_loop3A_256] : memref<2x112x100xf32, #tpu.memory_space<vmem>> -> memref<1x112x100xf32, #tpu.memory_space<vmem>>
        %parallel_loop3A_258 = tpu.memref_squeeze %parallel_loop3A_257 : memref<1x112x100xf32, #tpu.memory_space<vmem>> -> memref<112x100xf32, #tpu.memory_space<vmem>>
        %parallel_loop3A_259 = tpu.vector_load_idx %parallel_loop3A_258[%parallel_loop3A_220, %get3A_9] : memref<112x100xf32, #tpu.memory_space<vmem>>[vector<16xi32>, vector<16xi32>], vector<16xf32>,
        %parallel_loop3A_260 = arith.constant 1 : i32
        %parallel_loop3A_261 = arith.index_cast %parallel_loop3A_260 : i32 to index
        %parallel_loop3A_262 = arith.index_cast %parallel_loop3A_218 : i32 to index
        %parallel_loop3A_263 = arith.constant 48 : index
        %parallel_loop3A_264 = tpu.vector_load %arg8[%parallel_loop3A_261, %parallel_loop3A_262, %parallel_loop3A_263] {strides = array<i32>} : memref<2x112x256xf32, #tpu.memory_space<vmem>>, vector<16xf32>,
        tpu.vector_store %arg8[%parallel_loop3A_261, %parallel_loop3A_262, %parallel_loop3A_263], %parallel_loop3A_259 {strides = array<i32>} : memref<2x112x256xf32, #tpu.memory_space<vmem>>, vector<16xf32>,
        %parallel_loop3A_265 = arith.constant 1 : i32
        %parallel_loop3A_266 = arith.constant 0 : i32
        %parallel_loop3A_267 = arith.constant 0 : i32
        %parallel_loop3A_268 = tpu.memref_slice %arg7[%parallel_loop3A_265, %parallel_loop3A_266, %parallel_loop3A_267] : memref<2x112x100xf32, #tpu.memory_space<vmem>> -> memref<1x112x100xf32, #tpu.memory_space<vmem>>
        %parallel_loop3A_269 = tpu.memref_squeeze %parallel_loop3A_268 : memref<1x112x100xf32, #tpu.memory_space<vmem>> -> memref<112x100xf32, #tpu.memory_space<vmem>>
        %parallel_loop3A_270 = tpu.vector_load_idx %parallel_loop3A_269[%parallel_loop3A_220, %get3A_11] : memref<112x100xf32, #tpu.memory_space<vmem>>[vector<16xi32>, vector<16xi32>], vector<16xf32>,
        %parallel_loop3A_271 = arith.constant 1 : i32
        %parallel_loop3A_272 = arith.index_cast %parallel_loop3A_271 : i32 to index
        %parallel_loop3A_273 = arith.index_cast %parallel_loop3A_218 : i32 to index
        %parallel_loop3A_274 = arith.constant 64 : index
        %parallel_loop3A_275 = tpu.vector_load %arg8[%parallel_loop3A_272, %parallel_loop3A_273, %parallel_loop3A_274] {strides = array<i32>} : memref<2x112x256xf32, #tpu.memory_space<vmem>>, vector<16xf32>,
        tpu.vector_store %arg8[%parallel_loop3A_272, %parallel_loop3A_273, %parallel_loop3A_274], %parallel_loop3A_270 {strides = array<i32>} : memref<2x112x256xf32, #tpu.memory_space<vmem>>, vector<16xf32>,
        %parallel_loop3A_276 = arith.constant 1 : i32
        %parallel_loop3A_277 = arith.constant 0 : i32
        %parallel_loop3A_278 = arith.constant 0 : i32
        %parallel_loop3A_279 = tpu.memref_slice %arg7[%parallel_loop3A_276, %parallel_loop3A_277, %parallel_loop3A_278] : memref<2x112x100xf32, #tpu.memory_space<vmem>> -> memref<1x112x100xf32, #tpu.memory_space<vmem>>
        %parallel_loop3A_280 = tpu.memref_squeeze %parallel_loop3A_279 : memref<1x112x100xf32, #tpu.memory_space<vmem>> -> memref<112x100xf32, #tpu.memory_space<vmem>>
        %parallel_loop3A_281 = tpu.vector_load_idx %parallel_loop3A_280[%parallel_loop3A_220, %get3A_13] : memref<112x100xf32, #tpu.memory_space<vmem>>[vector<16xi32>, vector<16xi32>], vector<16xf32>,
        %parallel_loop3A_282 = arith.constant 1 : i32
        %parallel_loop3A_283 = arith.index_cast %parallel_loop3A_282 : i32 to index
        %parallel_loop3A_284 = arith.index_cast %parallel_loop3A_218 : i32 to index
        %parallel_loop3A_285 = arith.constant 80 : index
        %parallel_loop3A_286 = tpu.vector_load %arg8[%parallel_loop3A_283, %parallel_loop3A_284, %parallel_loop3A_285] {strides = array<i32>} : memref<2x112x256xf32, #tpu.memory_space<vmem>>, vector<16xf32>,
        tpu.vector_store %arg8[%parallel_loop3A_283, %parallel_loop3A_284, %parallel_loop3A_285], %parallel_loop3A_281 {strides = array<i32>} : memref<2x112x256xf32, #tpu.memory_space<vmem>>, vector<16xf32>,
        %parallel_loop3A_287 = arith.constant 1 : i32
        %parallel_loop3A_288 = arith.constant 0 : i32
        %parallel_loop3A_289 = arith.constant 0 : i32
        %parallel_loop3A_290 = tpu.memref_slice %arg7[%parallel_loop3A_287, %parallel_loop3A_288, %parallel_loop3A_289] : memref<2x112x100xf32, #tpu.memory_space<vmem>> -> memref<1x112x100xf32, #tpu.memory_space<vmem>>
        %parallel_loop3A_291 = tpu.memref_squeeze %parallel_loop3A_290 : memref<1x112x100xf32, #tpu.memory_space<vmem>> -> memref<112x100xf32, #tpu.memory_space<vmem>>
        %parallel_loop3A_292 = tpu.vector_load_idx %parallel_loop3A_291[%parallel_loop3A_220, %get3A_15] : memref<112x100xf32, #tpu.memory_space<vmem>>[vector<16xi32>, vector<16xi32>], vector<16xf32>,
        %parallel_loop3A_293 = arith.constant 1 : i32
        %parallel_loop3A_294 = arith.index_cast %parallel_loop3A_293 : i32 to index
        %parallel_loop3A_295 = arith.index_cast %parallel_loop3A_218 : i32 to index
        %parallel_loop3A_296 = arith.constant 96 : index
        %parallel_loop3A_297 = tpu.vector_load %arg8[%parallel_loop3A_294, %parallel_loop3A_295, %parallel_loop3A_296] {strides = array<i32>} : memref<2x112x256xf32, #tpu.memory_space<vmem>>, vector<16xf32>,
        tpu.vector_store %arg8[%parallel_loop3A_294, %parallel_loop3A_295, %parallel_loop3A_296], %parallel_loop3A_292 {strides = array<i32>} : memref<2x112x256xf32, #tpu.memory_space<vmem>>, vector<16xf32>,
        %parallel_loop3A_298 = arith.constant 1 : i32
        %parallel_loop3A_299 = arith.constant 0 : i32
        %parallel_loop3A_300 = arith.constant 0 : i32
        %parallel_loop3A_301 = tpu.memref_slice %arg7[%parallel_loop3A_298, %parallel_loop3A_299, %parallel_loop3A_300] : memref<2x112x100xf32, #tpu.memory_space<vmem>> -> memref<1x112x100xf32, #tpu.memory_space<vmem>>
        %parallel_loop3A_302 = tpu.memref_squeeze %parallel_loop3A_301 : memref<1x112x100xf32, #tpu.memory_space<vmem>> -> memref<112x100xf32, #tpu.memory_space<vmem>>
        %parallel_loop3A_303 = tpu.vector_load_idx %parallel_loop3A_302[%parallel_loop3A_220, %get3A_17] : memref<112x100xf32, #tpu.memory_space<vmem>>[vector<16xi32>, vector<16xi32>], vector<16xf32>,
        %parallel_loop3A_304 = arith.constant 1 : i32
        %parallel_loop3A_305 = arith.index_cast %parallel_loop3A_304 : i32 to index
        %parallel_loop3A_306 = arith.index_cast %parallel_loop3A_218 : i32 to index
        %parallel_loop3A_307 = arith.constant 112 : index
        %parallel_loop3A_308 = tpu.vector_load %arg8[%parallel_loop3A_305, %parallel_loop3A_306, %parallel_loop3A_307] {strides = array<i32>} : memref<2x112x256xf32, #tpu.memory_space<vmem>>, vector<16xf32>,
        tpu.vector_store %arg8[%parallel_loop3A_305, %parallel_loop3A_306, %parallel_loop3A_307], %parallel_loop3A_303 {strides = array<i32>} : memref<2x112x256xf32, #tpu.memory_space<vmem>>, vector<16xf32>,
        %parallel_loop3A_309 = arith.constant 1 : i32
        %parallel_loop3A_310 = arith.constant 0 : i32
        %parallel_loop3A_311 = arith.constant 0 : i32
        %parallel_loop3A_312 = tpu.memref_slice %arg7[%parallel_loop3A_309, %parallel_loop3A_310, %parallel_loop3A_311] : memref<2x112x100xf32, #tpu.memory_space<vmem>> -> memref<1x112x100xf32, #tpu.memory_space<vmem>>
        %parallel_loop3A_313 = tpu.memref_squeeze %parallel_loop3A_312 : memref<1x112x100xf32, #tpu.memory_space<vmem>> -> memref<112x100xf32, #tpu.memory_space<vmem>>
        %parallel_loop3A_314 = tpu.vector_load_idx %parallel_loop3A_313[%parallel_loop3A_220, %get3A_19] : memref<112x100xf32, #tpu.memory_space<vmem>>[vector<16xi32>, vector<16xi32>], vector<16xf32>,
        %parallel_loop3A_315 = arith.constant 1 : i32
        %parallel_loop3A_316 = arith.index_cast %parallel_loop3A_315 : i32 to index
        %parallel_loop3A_317 = arith.index_cast %parallel_loop3A_218 : i32 to index
        %parallel_loop3A_318 = arith.constant 128 : index
        %parallel_loop3A_319 = tpu.vector_load %arg8[%parallel_loop3A_316, %parallel_loop3A_317, %parallel_loop3A_318] {strides = array<i32>} : memref<2x112x256xf32, #tpu.memory_space<vmem>>, vector<16xf32>,
        tpu.vector_store %arg8[%parallel_loop3A_316, %parallel_loop3A_317, %parallel_loop3A_318], %parallel_loop3A_314 {strides = array<i32>} : memref<2x112x256xf32, #tpu.memory_space<vmem>>, vector<16xf32>,
        %parallel_loop3A_320 = arith.constant 1 : i32
        %parallel_loop3A_321 = arith.constant 0 : i32
        %parallel_loop3A_322 = arith.constant 0 : i32
        %parallel_loop3A_323 = tpu.memref_slice %arg7[%parallel_loop3A_320, %parallel_loop3A_321, %parallel_loop3A_322] : memref<2x112x100xf32, #tpu.memory_space<vmem>> -> memref<1x112x100xf32, #tpu.memory_space<vmem>>
        %parallel_loop3A_324 = tpu.memref_squeeze %parallel_loop3A_323 : memref<1x112x100xf32, #tpu.memory_space<vmem>> -> memref<112x100xf32, #tpu.memory_space<vmem>>
        %parallel_loop3A_325 = tpu.vector_load_idx %parallel_loop3A_324[%parallel_loop3A_220, %get3A_21] : memref<112x100xf32, #tpu.memory_space<vmem>>[vector<16xi32>, vector<16xi32>], vector<16xf32>,
        %parallel_loop3A_326 = arith.constant 1 : i32
        %parallel_loop3A_327 = arith.index_cast %parallel_loop3A_326 : i32 to index
        %parallel_loop3A_328 = arith.index_cast %parallel_loop3A_218 : i32 to index
        %parallel_loop3A_329 = arith.constant 144 : index
        %parallel_loop3A_330 = tpu.vector_load %arg8[%parallel_loop3A_327, %parallel_loop3A_328, %parallel_loop3A_329] {strides = array<i32>} : memref<2x112x256xf32, #tpu.memory_space<vmem>>, vector<16xf32>,
        tpu.vector_store %arg8[%parallel_loop3A_327, %parallel_loop3A_328, %parallel_loop3A_329], %parallel_loop3A_325 {strides = array<i32>} : memref<2x112x256xf32, #tpu.memory_space<vmem>>, vector<16xf32>,
        %parallel_loop3A_331 = arith.constant 1 : i32
        %parallel_loop3A_332 = arith.constant 0 : i32
        %parallel_loop3A_333 = arith.constant 0 : i32
        %parallel_loop3A_334 = tpu.memref_slice %arg7[%parallel_loop3A_331, %parallel_loop3A_332, %parallel_loop3A_333] : memref<2x112x100xf32, #tpu.memory_space<vmem>> -> memref<1x112x100xf32, #tpu.memory_space<vmem>>
        %parallel_loop3A_335 = tpu.memref_squeeze %parallel_loop3A_334 : memref<1x112x100xf32, #tpu.memory_space<vmem>> -> memref<112x100xf32, #tpu.memory_space<vmem>>
        %parallel_loop3A_336 = tpu.vector_load_idx %parallel_loop3A_335[%parallel_loop3A_220, %get3A_23] : memref<112x100xf32, #tpu.memory_space<vmem>>[vector<16xi32>, vector<16xi32>], vector<16xf32>,
        %parallel_loop3A_337 = arith.constant 1 : i32
        %parallel_loop3A_338 = arith.index_cast %parallel_loop3A_337 : i32 to index
        %parallel_loop3A_339 = arith.index_cast %parallel_loop3A_218 : i32 to index
        %parallel_loop3A_340 = arith.constant 160 : index
        %parallel_loop3A_341 = tpu.vector_load %arg8[%parallel_loop3A_338, %parallel_loop3A_339, %parallel_loop3A_340] {strides = array<i32>} : memref<2x112x256xf32, #tpu.memory_space<vmem>>, vector<16xf32>,
        tpu.vector_store %arg8[%parallel_loop3A_338, %parallel_loop3A_339, %parallel_loop3A_340], %parallel_loop3A_336 {strides = array<i32>} : memref<2x112x256xf32, #tpu.memory_space<vmem>>, vector<16xf32>,
        %parallel_loop3A_342 = arith.constant 1 : i32
        %parallel_loop3A_343 = arith.constant 0 : i32
        %parallel_loop3A_344 = arith.constant 0 : i32
        %parallel_loop3A_345 = tpu.memref_slice %arg7[%parallel_loop3A_342, %parallel_loop3A_343, %parallel_loop3A_344] : memref<2x112x100xf32, #tpu.memory_space<vmem>> -> memref<1x112x100xf32, #tpu.memory_space<vmem>>
        %parallel_loop3A_346 = tpu.memref_squeeze %parallel_loop3A_345 : memref<1x112x100xf32, #tpu.memory_space<vmem>> -> memref<112x100xf32, #tpu.memory_space<vmem>>
        %parallel_loop3A_347 = tpu.vector_load_idx %parallel_loop3A_346[%parallel_loop3A_220, %get3A_25] : memref<112x100xf32, #tpu.memory_space<vmem>>[vector<16xi32>, vector<16xi32>], vector<16xf32>,
        %parallel_loop3A_348 = arith.constant 1 : i32
        %parallel_loop3A_349 = arith.index_cast %parallel_loop3A_348 : i32 to index
        %parallel_loop3A_350 = arith.index_cast %parallel_loop3A_218 : i32 to index
        %parallel_loop3A_351 = arith.constant 176 : index
        %parallel_loop3A_352 = tpu.vector_load %arg8[%parallel_loop3A_349, %parallel_loop3A_350, %parallel_loop3A_351] {strides = array<i32>} : memref<2x112x256xf32, #tpu.memory_space<vmem>>, vector<16xf32>,
        tpu.vector_store %arg8[%parallel_loop3A_349, %parallel_loop3A_350, %parallel_loop3A_351], %parallel_loop3A_347 {strides = array<i32>} : memref<2x112x256xf32, #tpu.memory_space<vmem>>, vector<16xf32>,
        %parallel_loop3A_353 = arith.constant 1 : i32
        %parallel_loop3A_354 = arith.constant 0 : i32
        %parallel_loop3A_355 = arith.constant 0 : i32
        %parallel_loop3A_356 = tpu.memref_slice %arg7[%parallel_loop3A_353, %parallel_loop3A_354, %parallel_loop3A_355] : memref<2x112x100xf32, #tpu.memory_space<vmem>> -> memref<1x112x100xf32, #tpu.memory_space<vmem>>
        %parallel_loop3A_357 = tpu.memref_squeeze %parallel_loop3A_356 : memref<1x112x100xf32, #tpu.memory_space<vmem>> -> memref<112x100xf32, #tpu.memory_space<vmem>>
        %parallel_loop3A_358 = tpu.vector_load_idx %parallel_loop3A_357[%parallel_loop3A_220, %get3A_27] : memref<112x100xf32, #tpu.memory_space<vmem>>[vector<16xi32>, vector<16xi32>], vector<16xf32>,
        %parallel_loop3A_359 = arith.constant 1 : i32
        %parallel_loop3A_360 = arith.index_cast %parallel_loop3A_359 : i32 to index
        %parallel_loop3A_361 = arith.index_cast %parallel_loop3A_218 : i32 to index
        %parallel_loop3A_362 = arith.constant 192 : index
        %parallel_loop3A_363 = tpu.vector_load %arg8[%parallel_loop3A_360, %parallel_loop3A_361, %parallel_loop3A_362] {strides = array<i32>} : memref<2x112x256xf32, #tpu.memory_space<vmem>>, vector<16xf32>,
        tpu.vector_store %arg8[%parallel_loop3A_360, %parallel_loop3A_361, %parallel_loop3A_362], %parallel_loop3A_358 {strides = array<i32>} : memref<2x112x256xf32, #tpu.memory_space<vmem>>, vector<16xf32>,
        %parallel_loop3A_364 = arith.constant 1 : i32
        %parallel_loop3A_365 = arith.constant 0 : i32
        %parallel_loop3A_366 = arith.constant 0 : i32
        %parallel_loop3A_367 = tpu.memref_slice %arg7[%parallel_loop3A_364, %parallel_loop3A_365, %parallel_loop3A_366] : memref<2x112x100xf32, #tpu.memory_space<vmem>> -> memref<1x112x100xf32, #tpu.memory_space<vmem>>
        %parallel_loop3A_368 = tpu.memref_squeeze %parallel_loop3A_367 : memref<1x112x100xf32, #tpu.memory_space<vmem>> -> memref<112x100xf32, #tpu.memory_space<vmem>>
        %parallel_loop3A_369 = tpu.vector_load_idx %parallel_loop3A_368[%parallel_loop3A_220, %get3A_29] : memref<112x100xf32, #tpu.memory_space<vmem>>[vector<16xi32>, vector<16xi32>], vector<16xf32>,
        %parallel_loop3A_370 = arith.constant 1 : i32
        %parallel_loop3A_371 = arith.index_cast %parallel_loop3A_370 : i32 to index
        %parallel_loop3A_372 = arith.index_cast %parallel_loop3A_218 : i32 to index
        %parallel_loop3A_373 = arith.constant 208 : index
        %parallel_loop3A_374 = tpu.vector_load %arg8[%parallel_loop3A_371, %parallel_loop3A_372, %parallel_loop3A_373] {strides = array<i32>} : memref<2x112x256xf32, #tpu.memory_space<vmem>>, vector<16xf32>,
        tpu.vector_store %arg8[%parallel_loop3A_371, %parallel_loop3A_372, %parallel_loop3A_373], %parallel_loop3A_369 {strides = array<i32>} : memref<2x112x256xf32, #tpu.memory_space<vmem>>, vector<16xf32>,
        %parallel_loop3A_375 = arith.constant 1 : i32
        %parallel_loop3A_376 = arith.constant 0 : i32
        %parallel_loop3A_377 = arith.constant 0 : i32
        %parallel_loop3A_378 = tpu.memref_slice %arg7[%parallel_loop3A_375, %parallel_loop3A_376, %parallel_loop3A_377] : memref<2x112x100xf32, #tpu.memory_space<vmem>> -> memref<1x112x100xf32, #tpu.memory_space<vmem>>
        %parallel_loop3A_379 = tpu.memref_squeeze %parallel_loop3A_378 : memref<1x112x100xf32, #tpu.memory_space<vmem>> -> memref<112x100xf32, #tpu.memory_space<vmem>>
        %parallel_loop3A_380 = tpu.vector_load_idx %parallel_loop3A_379[%parallel_loop3A_220, %get3A_31] : memref<112x100xf32, #tpu.memory_space<vmem>>[vector<16xi32>, vector<16xi32>], vector<16xf32>,
        %parallel_loop3A_381 = arith.constant 1 : i32
        %parallel_loop3A_382 = arith.index_cast %parallel_loop3A_381 : i32 to index
        %parallel_loop3A_383 = arith.index_cast %parallel_loop3A_218 : i32 to index
        %parallel_loop3A_384 = arith.constant 224 : index
        %parallel_loop3A_385 = tpu.vector_load %arg8[%parallel_loop3A_382, %parallel_loop3A_383, %parallel_loop3A_384] {strides = array<i32>} : memref<2x112x256xf32, #tpu.memory_space<vmem>>, vector<16xf32>,
        tpu.vector_store %arg8[%parallel_loop3A_382, %parallel_loop3A_383, %parallel_loop3A_384], %parallel_loop3A_380 {strides = array<i32>} : memref<2x112x256xf32, #tpu.memory_space<vmem>>, vector<16xf32>,
        %parallel_loop3A_386 = arith.constant 1 : i32
        %parallel_loop3A_387 = arith.constant 0 : i32
        %parallel_loop3A_388 = arith.constant 0 : i32
        %parallel_loop3A_389 = tpu.memref_slice %arg7[%parallel_loop3A_386, %parallel_loop3A_387, %parallel_loop3A_388] : memref<2x112x100xf32, #tpu.memory_space<vmem>> -> memref<1x112x100xf32, #tpu.memory_space<vmem>>
        %parallel_loop3A_390 = tpu.memref_squeeze %parallel_loop3A_389 : memref<1x112x100xf32, #tpu.memory_space<vmem>> -> memref<112x100xf32, #tpu.memory_space<vmem>>
        %parallel_loop3A_391 = tpu.vector_load_idx %parallel_loop3A_390[%parallel_loop3A_220, %get3A_33] : memref<112x100xf32, #tpu.memory_space<vmem>>[vector<16xi32>, vector<16xi32>], vector<16xf32>,
        %parallel_loop3A_392 = arith.constant 1 : i32
        %parallel_loop3A_393 = arith.index_cast %parallel_loop3A_392 : i32 to index
        %parallel_loop3A_394 = arith.index_cast %parallel_loop3A_218 : i32 to index
        %parallel_loop3A_395 = arith.constant 240 : index
        %parallel_loop3A_396 = tpu.vector_load %arg8[%parallel_loop3A_393, %parallel_loop3A_394, %parallel_loop3A_395] {strides = array<i32>} : memref<2x112x256xf32, #tpu.memory_space<vmem>>, vector<16xf32>,
        tpu.vector_store %arg8[%parallel_loop3A_393, %parallel_loop3A_394, %parallel_loop3A_395], %parallel_loop3A_391 {strides = array<i32>} : memref<2x112x256xf32, #tpu.memory_space<vmem>>, vector<16xf32>,
      } {sc.loop_unroll_factor = 2 : i64, sc.parallel_access}
      %dma_start3A_200 = arith.constant 1 : i32
      %dma_start3A_201 = arith.constant 0 : i32
      %dma_start3A_202 = arith.constant 0 : i32
      %dma_start3A_203 = tpu.memref_slice %arg8[%dma_start3A_200, %dma_start3A_201, %dma_start3A_202] : memref<2x112x256xf32, #tpu.memory_space<vmem>> -> memref<1x112x256xf32, #tpu.memory_space<vmem>>
      %dma_start3A_204 = tpu.memref_squeeze %dma_start3A_203 : memref<1x112x256xf32, #tpu.memory_space<vmem>> -> memref<112x256xf32, #tpu.memory_space<vmem>>
      %dma_start3A_205 = arith.constant 112 : i32
      %dma_start3A_206 = arith.constant 0 : i32
      %dma_start3A_207 = tpu.memref_slice %arg5[%select_n3A, %sub3A_101, %dma_start3A_205, %dma_start3A_206] : memref<3x224x224x256xf32, #tpu.memory_space<hbm>> -> memref<1x1x112x256xf32, #tpu.memory_space<hbm>>
      %dma_start3A_208 = tpu.memref_squeeze %dma_start3A_207 : memref<1x1x112x256xf32, #tpu.memory_space<hbm>> -> memref<112x256xf32, #tpu.memory_space<hbm>>
      %dma_start3A_209 = arith.constant 112 : i32
      %dma_start3A_210 = arith.constant 0 : i32
      %dma_start3A_211 = tpu.memref_slice %arg5[%select_n3A, %sub3A_101, %dma_start3A_209, %dma_start3A_210] : memref<3x224x224x256xf32, #tpu.memory_space<hbm>> -> memref<1x1x112x256xf32, #tpu.memory_space<hbm>>
      %dma_start3A_212 = tpu.memref_squeeze %dma_start3A_211 : memref<1x1x112x256xf32, #tpu.memory_space<hbm>> -> memref<112x256xf32, #tpu.memory_space<hbm>>
      %dma_start3A_213 = arith.constant 0 : i32
      %dma_start3A_214 = arith.constant 0 : i32
      %dma_start3A_215 = tpu.memref_slice %arg8[%dma_start3A_200, %dma_start3A_213, %dma_start3A_214] : memref<2x112x256xf32, #tpu.memory_space<vmem>> -> memref<1x112x256xf32, #tpu.memory_space<vmem>>
      %dma_start3A_216 = tpu.memref_squeeze %dma_start3A_215 : memref<1x112x256xf32, #tpu.memory_space<vmem>> -> memref<112x256xf32, #tpu.memory_space<vmem>>
      tpu.enqueue_dma source(%dma_start3A_216 : memref<112x256xf32, #tpu.memory_space<vmem>>) target(%dma_start3A_212 : memref<112x256xf32, #tpu.memory_space<hbm>>) target_semaphore(%arg15 : memref<!tpu.dma_semaphore, #tpu.memory_space<semaphore_mem>>)
      %scan3A_217 = arith.constant 0 : i32
      scf.yield %scan3A_217 : i32
    }
    %scan3A_40 = arith.constant 21 : i32
    %dma_wait3A = arith.constant 0 : i32
    %dma_wait3A_41 = arith.constant 0 : i32
    %dma_wait3A_42 = arith.constant 0 : i32
    %dma_wait3A_43 = arith.constant 0 : i32
    %dma_wait3A_44 = arith.constant 0 : i32
    %dma_wait3A_45 = tpu.memref_slice %arg8[%dma_wait3A_42, %dma_wait3A_43, %dma_wait3A_44] : memref<2x112x256xf32, #tpu.memory_space<vmem>> -> memref<1x112x256xf32, #tpu.memory_space<vmem>>
    %dma_wait3A_46 = tpu.memref_squeeze %dma_wait3A_45 : memref<1x112x256xf32, #tpu.memory_space<vmem>> -> memref<112x256xf32, #tpu.memory_space<vmem>>
    %dma_wait3A_47 = arith.constant 0 : i32
    %dma_wait3A_48 = arith.constant 0 : i32
    %dma_wait3A_49 = tpu.memref_slice %arg5[%dma_wait3A, %dma_wait3A_41, %dma_wait3A_47, %dma_wait3A_48] : memref<3x224x224x256xf32, #tpu.memory_space<hbm>> -> memref<1x1x112x256xf32, #tpu.memory_space<hbm>>
    %dma_wait3A_50 = tpu.memref_squeeze %dma_wait3A_49 : memref<1x1x112x256xf32, #tpu.memory_space<hbm>> -> memref<112x256xf32, #tpu.memory_space<hbm>>
    %dma_wait3A_51 = arith.constant 0 : i32
    %dma_wait3A_52 = arith.constant 0 : i32
    %dma_wait3A_53 = tpu.memref_slice %arg8[%dma_wait3A_42, %dma_wait3A_51, %dma_wait3A_52] : memref<2x112x256xf32, #tpu.memory_space<vmem>> -> memref<1x112x256xf32, #tpu.memory_space<vmem>>
    %dma_wait3A_54 = tpu.memref_squeeze %dma_wait3A_53 : memref<1x112x256xf32, #tpu.memory_space<vmem>> -> memref<112x256xf32, #tpu.memory_space<vmem>>
    %dma_wait3A_55 = arith.constant 0 : i32
    %dma_wait3A_56 = arith.constant 0 : i32
    %dma_wait3A_57 = tpu.memref_slice %arg5[%dma_wait3A, %dma_wait3A_41, %dma_wait3A_55, %dma_wait3A_56] : memref<3x224x224x256xf32, #tpu.memory_space<hbm>> -> memref<1x1x112x256xf32, #tpu.memory_space<hbm>>
    %dma_wait3A_58 = tpu.memref_squeeze %dma_wait3A_57 : memref<1x1x112x256xf32, #tpu.memory_space<hbm>> -> memref<112x256xf32, #tpu.memory_space<hbm>>
    tpu.wait_dma2 semaphore(%arg14 : memref<!tpu.dma_semaphore, #tpu.memory_space<semaphore_mem>>) src(%dma_wait3A_58 : memref<112x256xf32, #tpu.memory_space<hbm>>) dst(%dma_wait3A_54 : memref<112x256xf32, #tpu.memory_space<vmem>>)
    %dma_wait3A_59 = arith.constant 0 : i32
    %dma_wait3A_60 = arith.constant 0 : i32
    %dma_wait3A_61 = arith.constant 1 : i32
    %dma_wait3A_62 = arith.constant 0 : i32
    %dma_wait3A_63 = arith.constant 0 : i32
    %dma_wait3A_64 = tpu.memref_slice %arg8[%dma_wait3A_61, %dma_wait3A_62, %dma_wait3A_63] : memref<2x112x256xf32, #tpu.memory_space<vmem>> -> memref<1x112x256xf32, #tpu.memory_space<vmem>>
    %dma_wait3A_65 = tpu.memref_squeeze %dma_wait3A_64 : memref<1x112x256xf32, #tpu.memory_space<vmem>> -> memref<112x256xf32, #tpu.memory_space<vmem>>
    %dma_wait3A_66 = arith.constant 0 : i32
    %dma_wait3A_67 = arith.constant 0 : i32
    %dma_wait3A_68 = tpu.memref_slice %arg5[%dma_wait3A_59, %dma_wait3A_60, %dma_wait3A_66, %dma_wait3A_67] : memref<3x224x224x256xf32, #tpu.memory_space<hbm>> -> memref<1x1x112x256xf32, #tpu.memory_space<hbm>>
    %dma_wait3A_69 = tpu.memref_squeeze %dma_wait3A_68 : memref<1x1x112x256xf32, #tpu.memory_space<hbm>> -> memref<112x256xf32, #tpu.memory_space<hbm>>
    %dma_wait3A_70 = arith.constant 0 : i32
    %dma_wait3A_71 = arith.constant 0 : i32
    %dma_wait3A_72 = tpu.memref_slice %arg8[%dma_wait3A_61, %dma_wait3A_70, %dma_wait3A_71] : memref<2x112x256xf32, #tpu.memory_space<vmem>> -> memref<1x112x256xf32, #tpu.memory_space<vmem>>
    %dma_wait3A_73 = tpu.memref_squeeze %dma_wait3A_72 : memref<1x112x256xf32, #tpu.memory_space<vmem>> -> memref<112x256xf32, #tpu.memory_space<vmem>>
    %dma_wait3A_74 = arith.constant 0 : i32
    %dma_wait3A_75 = arith.constant 0 : i32
    %dma_wait3A_76 = tpu.memref_slice %arg5[%dma_wait3A_59, %dma_wait3A_60, %dma_wait3A_74, %dma_wait3A_75] : memref<3x224x224x256xf32, #tpu.memory_space<hbm>> -> memref<1x1x112x256xf32, #tpu.memory_space<hbm>>
    %dma_wait3A_77 = tpu.memref_squeeze %dma_wait3A_76 : memref<1x1x112x256xf32, #tpu.memory_space<hbm>> -> memref<112x256xf32, #tpu.memory_space<hbm>>
    tpu.wait_dma2 semaphore(%arg15 : memref<!tpu.dma_semaphore, #tpu.memory_space<semaphore_mem>>) src(%dma_wait3A_77 : memref<112x256xf32, #tpu.memory_space<hbm>>) dst(%dma_wait3A_73 : memref<112x256xf32, #tpu.memory_space<vmem>>)
    return
  }
}

</mosaic_0001>

<sc_bundles>
// kernel: _run.3.cloned.1.call-start
scs
__scs_entry_jumppad:
0x0: {  	(pc) =	sbr.rel $0x88, $3  }
0x1: {  	(tag) =	ssettag $0x0;
	lr =	simm.s32 $0x1  }
0x2: {  	[smem:$0x3F9E] =	sst lr;
	_ =	strace $0xD0000000  }
0x3: {  	_ = 	snop  }
0x4: {  	_ = 	snop  }
0x5: {  	_ = 	snop  }
0x6: {  	_ = 	snop  }
0x7: {  	_ = 	snop  }
__scs_overlays_trampoline_lowered:
0x8: {  	[smem:$0x3FAD] =	sst s0  }
0x9: {  	[smem:$0x3FAE] =	sst s1  }
0xa: {  	[smem:$0x3FAF] =	sst s2  }
0xb: {  	[smem:$0x3FB0] =	sst s3  }
0xc: {  	[smem:$0x3FB1] =	sst s4  }
0xd: {  	[smem:$0x3FB2] =	sst s5  }
0xe: {  	[smem:$0x3FB3] =	sst s6  }
0xf: {  	[smem:$0x3FB4] =	sst s7  }
0x10: {  	[smem:$0x3FB5] =	sst s8  }
0x11: {  	[smem:$0x3FB6] =	sst s9;
	s0 =	simm.s32 @!p0 $0x0  }
0x12: {  	s1 =	sld [smem:$0x3F9C];
	s0 =	simm.s32 @p0 $0x1  }
0x13: {  	[smem:$0x3FB7] =	sst s0;
	s0 =	simm.s32 @!p1 $0x0  }
0x14: {  	s2 =	sld [smem:$0x3F9B];
	s0 =	simm.s32 @p1 $0x1  }
0x15: {  	[smem:$0x3FB8] =	sst s0;
	s0 =	simm.s32 @!p2 $0x0  }
0x16: {  	s3 =	sld [smem:$0x3FDB];
	s0 =	simm.s32 @p2 $0x1  }
0x17: {  	s4 =	simm.s32 $0x1BF5;
	[smem:$0x3FBA] =	sst s0  }
0x18: {  	s0 =	sld [smem:$0x3F9D];
	_ =	swait.ge [sflag:s4], $0x0  }
0x19: {  	s7 =	sld [smem:$0x3F9E]  }
0x1a: {  	s8 =	sadd.s32 $0xFFFFE003, lr  }
0x1b: {  	s9 =	sadd.s32 $0xFFFFFEF7, lr;
	s5 =	simm.s32 $0xFFFFFFFF;
	p2 =	slt.u32 s8, $0xFFFFF086  }
0x1c: {  	p1 =	slt.u32 s9, $0xF7A;
	s5 =	simm.s32 @!p2 $0x0  }
0x1d: {  	s5 =	simm.s32 @p1 $0x1;
	p0 =	seq.s32 s7, s2  }
0x1e: {  	s7 =	smul.u32 @!p0 $0xF7A, s2;
	p2 =	seq.s32 @!p0 s5, $0x0  }
0x1f: {  	s9 =	smul.u32 $0xF7A, s1;
	s8 =	simm.s32 @!p0 $0x1BF5;
	p2 =	por !p2, p0  }
0x20: {  	[sflag:s8] =	ssyncset.s32 @!p0 $0xFFFFF086;
	s6 =	sadd.s32 @!p0 s3, s7;
	s7 =	simm.s32 @!p0 $0x108  }
0x21: {  	s3 =	sadd.s32 s3, s9;
	s6 =	sadd.s32 @!p0 $0x88, s6;
	s7 =	simm.s32 @p2 $0x1082  }
0x22: {  	[simem:s7], [sflag:s8] =	dma.local @!p0 [hbm:s6], $0xF7A  }
0x23: {  	s9 =	sor.u32 $0xD0000000, s2;
	s6 =	simm.s32 $0x108;
	_ =	swait.ge @!p0 [sflag:s8], $0x0  }
0x24: {  	s3 =	sadd.s32 $0x88, s3;
	s6 =	simm.s32 @!p1 $0x1082;
	[sflag:s4] =	ssyncset.s32 $0xFFFFF086  }
0x25: {  	[simem:s6], [sflag:s4] =	dma.local [hbm:s3], $0xF7A  }
0x26: {  	[smem:$0x3F9E] =	sst s1;
	(tag) =	ssettag s2;
	_ =	strace s9  }
0x27: {  	s1 =	sld [smem:$0x3FAE]  }
0x28: {  	s2 =	sld [smem:$0x3FAF]  }
0x29: {  	s4 =	sld [smem:$0x3FB1]  }
0x2a: {  	p0 =	seq.s32 s5, $0x0;
	s5 =	sld [smem:$0x3FB2]  }
0x2b: {  	s6 =	sld [smem:$0x3FB3]  }
0x2c: {  	s7 =	sld [smem:$0x3FB4]  }
0x2d: {  	s3 =	simm.s32 $0x108;
	s8 =	sld [smem:$0x3FB5]  }
0x2e: {  	s3 =	simm.s32 @!p0 $0x1082;
	s9 =	sld [smem:$0x3FB6]  }
0x2f: {  	lr =	sadd.s32 s0, s3;
	s0 =	sld [smem:$0x3FAD]  }
0x30: {  	s3 =	sld [smem:$0x3FB0]  }
0x31: {  	[smem:$0x3FB9] =	sst s10  }
0x32: {  	s10 =	sld [smem:$0x3FB7];
	_ =	sdelay $0x3  }
0x33: {  	p0 =	seq.s32 s10, $0x1;
	s10 =	sld [smem:$0x3FB9];
	_ =	sdelay $0x3  }
0x34: {  	[smem:$0x3FB9] =	sst s10  }
0x35: {  	s10 =	sld [smem:$0x3FB8];
	_ =	sdelay $0x3  }
0x36: {  	p1 =	seq.s32 s10, $0x1;
	s10 =	sld [smem:$0x3FB9];
	_ =	sdelay $0x3  }
0x37: {  	[smem:$0x3FB9] =	sst s10  }
0x38: {  	s10 =	sld [smem:$0x3FBA]  }
0x39: {  	_ = 	snop;
	(pc) =	sbr.ind lr, $3  }
0x3a: {  	_ = 	snop  }
0x3b: {  	_ = 	snop  }
0x3c: {  	p2 =	seq.s32 s10, $0x1;
	s10 =	sld [smem:$0x3FB9]  }
0x3d: {  	_ =	shalt  }
0x3e: {  	_ =	shalt  }
0x3f: {  	_ =	shalt  }
0x40: {  	_ =	shalt  }
0x41: {  	_ =	shalt  }
0x42: {  	_ =	shalt  }
0x43: {  	_ =	shalt  }
0x44: {  	_ =	shalt  }
0x45: {  	_ =	shalt  }
0x46: {  	_ =	shalt  }
0x47: {  	_ =	shalt  }
0x48: {  	_ =	shalt  }
0x49: {  	_ =	shalt  }
0x4a: {  	_ =	shalt  }
0x4b: {  	_ =	shalt  }
0x4c: {  	_ =	shalt  }
0x4d: {  	_ =	shalt  }
0x4e: {  	_ =	shalt  }
0x4f: {  	_ =	shalt  }
0x50: {  	_ =	shalt  }
0x51: {  	_ =	shalt  }
0x52: {  	_ =	shalt  }
0x53: {  	_ =	shalt  }
0x54: {  	_ =	shalt  }
0x55: {  	_ =	shalt  }
0x56: {  	_ =	shalt  }
0x57: {  	_ =	shalt  }
0x58: {  	_ =	shalt  }
0x59: {  	_ =	shalt  }
0x5a: {  	_ =	shalt  }
0x5b: {  	_ =	shalt  }
0x5c: {  	_ =	shalt  }
0x5d: {  	_ =	shalt  }
0x5e: {  	_ =	shalt  }
0x5f: {  	_ =	shalt  }
0x60: {  	_ =	shalt  }
0x61: {  	_ =	shalt  }
0x62: {  	_ =	shalt  }
0x63: {  	_ =	shalt  }
0x64: {  	_ =	shalt  }
0x65: {  	_ =	shalt  }
0x66: {  	_ =	shalt  }
0x67: {  	_ =	shalt  }
0x68: {  	_ =	shalt  }
0x69: {  	_ =	shalt  }
0x6a: {  	_ =	shalt  }
0x6b: {  	_ =	shalt  }
0x6c: {  	_ =	shalt  }
0x6d: {  	_ =	shalt  }
0x6e: {  	_ =	shalt  }
0x6f: {  	_ =	shalt  }
0x70: {  	_ =	shalt  }
0x71: {  	_ =	shalt  }
0x72: {  	_ =	shalt  }
0x73: {  	_ =	shalt  }
0x74: {  	_ =	shalt  }
0x75: {  	_ =	shalt  }
0x76: {  	_ =	shalt  }
0x77: {  	_ =	shalt  }
0x78: {  	_ =	shalt  }
0x79: {  	_ =	shalt  }
0x7a: {  	_ =	shalt  }
0x7b: {  	_ =	shalt  }
0x7c: {  	_ =	shalt  }
0x7d: {  	_ =	shalt  }
0x7e: {  	_ =	shalt  }
0x7f: {  	_ =	shalt  }
0x80: {  	_ =	shalt  }
0x81: {  	_ =	shalt  }
0x82: {  	_ =	shalt  }
0x83: {  	_ =	shalt  }
0x84: {  	_ =	shalt  }
0x85: {  	_ =	shalt  }
0x86: {  	_ =	shalt  }
0x87: {  	_ =	shalt  }
.Lfunc_end0:
.L_simem_size_0:
called_computation_lowered:
.L_overlay_start_0:
0x88: {  	s2 =	sld [smem:$0x3FD9]  }
0x89: {  	s3 =	sld [smem:$0x3FFE];
	_ =	sdelay $0x1  }
0x8a: {  	s1 =	srdreg.scid  }
0x8b: {  	s0 =	sand.u32 $0x1, s1  }
0x8c: {  	s14 =	sshll.u32 s0, $0xA;
	s2 =	sadd.s32 s3, s2  }
0x8d: {  	s2 =	sadd.s32 s2, s14  }
0x8e: {  	[smem:$0x3FC5] =	sst s2  }
0x8f: {  	_ = 	snop  }
0x90: {  	s2 =	sld [smem:$0x3FD0];
	_ =	sdelay $0x1  }
0x91: {  	s15 =	sld [smem:$0x3FC8]  }
0x92: {  	s5 =	simm.s32 $0xA;
	s6 =	simm.s32 $0x10;
	s4 =	sld [smem:$0x3FC7]  }
0x93: {  	[smem:s6], [sflag:s5] =	dma.local [hbm:s2], $0x1  }
0x94: {  	_ =	swait.eq [sflag:s5], $0x1  }
0x95: {  	[sflag:s5] =	ssyncset.done $0x0  }
0x96: {  	s16 =	sld [smem:$0x10];
	[sflag:s5] =	ssyncadd.s32 $0xFFFFFFFF  }
0x97: {  	s17 =	sld [smem:$0x11];
	(tm) =	ssettm $0x1  }
0x98: {  	s18 =	sld [smem:$0x3FFB];
	_ =	sdelay $0x3  }
0x99: {  	_ =	strace s18  }
0x9a: {  	s6 =	sld [smem:$0x3FFC];
	_ =	sdelay $0x3  }
0x9b: {  	_ =	strace s6  }
0x9c: {  	s6 =	sld [smem:$0x3FFD];
	_ =	sdelay $0x3  }
0x9d: {  	_ =	strace s6  }
0x9e: {  	_ =	strace $0x8FFFFFFF  }
0x9f: {  	s19 =	sld [smem:$0x3FDB];
	_ =	sdelay $0x1  }
0xa0: {  	s7 =	simm.s32 $_scs_section_size  }
0xa1: {  	s8 =	simm.s32 $_size__tile_overlayer_lowered;
	s9 =	simm.s32 $_tile_overlayer_lowered  }
0xa2: {  	s22 =	simm.s32 $0x1BFF;
	s21 =	sshll.u32 s9, $0x1;
	s6 =	sadd.s32 s7, s19  }
0xa3: {  	s10 =	simm.s32 $0x0;
	s20 =	sshll.u32 s8, $0x1;
	s8 =	sadd.s32 s21, s6  }
0xa4: {  	[timem:s10], [sflag:s22] =	dma.local [hbm:s8], s20  }
0xa5: {  	_ =	swait.ge [sflag:s22], s20  }
0xa6: {  	s7 =	ssub.s32 $0x0, s20;
	[sflag:s22] =	ssyncset.done $0x0  }
0xa7: {  	[sflag:s22] =	ssyncadd.s32 s7;
	_ =	sdelay $0x1  }
0xa8: {  	s23 =	simm.s32 $0x1B8B  }
0xa9: {  	_ =	swait.ge [sflag:s23], $0x1  }
0xaa: {  	[sflag:s23] =	ssyncset.done $0x0  }
0xab: {  	s25 =	simm.s32 $0x1B8E;
	s24 =	sld [smem:$0x3FFE];
	[sflag:s23] =	ssyncadd.s32 $0xFFFFFFFF  }
0xac: {  	s26 =	simm.s32 $execute0_lowered;
	[smem:$0x3FD2] =	sst s25  }
0xad: {  	s8 =	sshll.u32 s26, $0x1;
	_ =	strace $0x80000046;
	[dreg:$0x1] =	wrdreg $0xFFFFFFFF  }
0xae: {  	s28 =	simm.s32 $_size_execute0_lowered;
	s6 =	sadd.s32 s6, s8;
	[dreg:$0x0] =	wrdreg $0x0  }
0xaf: {  	s8 =	sshll.u32 s28, $0x1;
	[dreg:$0x2] =	wrdreg s6  }
0xb0: {  	[dreg:$0x3] =	wrdreg s8  }
0xb1: {  	[dreg:$0x4] =	wrdreg $0xC0  }
0xb2: {  	_ =	task [dreg:s10], $0x5FFFF  }
0xb3: {  	[dreg:$0x1] =	wrdreg $0xFFFFFFFF  }
0xb4: {  	[dreg:$0x0] =	wrdreg $0x60  }
0xb5: {  	[dreg:$0x2] =	wrdreg s24  }
0xb6: {  	[dreg:$0x3] =	wrdreg s15  }
0xb7: {  	[dreg:$0x4] =	wrdreg s4  }
0xb8: {  	[dreg:$0x5] =	wrdreg s16  }
0xb9: {  	[dreg:$0x6] =	wrdreg s17  }
0xba: {  	[dreg:$0x7] =	wrdreg $0x9  }
0xbb: {  	_ =	task.clear_ibuf [dreg:s10], $0x8FFFF;
	_ =	strace $0x90000046  }
0xbc: {  	s29 =	simm.s32 $0x9;
	_ =	strace $0x80000048  }
0xbd: {  	_ =	swait.ge [sflag:s29], $0x1  }
0xbe: {  	[sflag:s29] =	ssyncadd.s32 $0xFFFFFFFF  }
0xbf: {  	_ =	strace $0x90000048  }
0xc0: {  	_ =	sfence  }
0xc1: {  	s30 =	sld [smem:$0x0];
	_ =	sdelay $0x2  }
0xc2: {  	s31 =	sshll.u32 s1, $0xD;
	s1 =	sshrl.u32 s1, $0x2  }
0xc3: {  	s3 =	sand.u32 $0x4000, s31;
	s1 =	sadd.s32 s1, s30  }
0xc4: {  	s0 =	sor.u32 s3, s0;
	s1 =	sshll.u32 s1, $0x11  }
0xc5: {  	s0 =	sor.u32 s1, s0  }
0xc6: {  	s0 =	sadd.s32 $0x8F2B, s0  }
0xc7: {  	[sflag:s0] =	ssyncadd.remote.s32 $0x1  }
0xc8: {  	_ =	sfence.sel $0xFFFF  }
0xc9: {  	[dreg:$0x0] =	wrdreg $0xFFFFFFFF;
	(pc) =	sbr.abs _section_cstart, $3  }
0xca: {  	[dreg:$0x1] =	wrdreg $0xFFFFFFFF  }
0xcb: {  	_ =	task.clear_ibuf [dreg:s10], $0x2FFFF;
	_ =	strace $0x9FFFFFFF  }
0xcc: {  	(tm) =	ssettm $0x7FFFFFFF  }
0xcd: {  	_ =	shalt  }
tec
execute0_lowered:
.L_overlay_start_1:
0x0: {  	(tag) =	ssettag $0x1  }
0x1: {  	s0 =	rddreg [dreg:$0x0]  }
0x2: {  	s3 =	rddreg [dreg:$0x1]  }
0x3: {  	s18 =	rddreg [dreg:$0x3]  }
0x4: {  	s1 =	rddreg [dreg:$0x4]  }
0x5: {  	s2 =	srdreg.scid;
	s8 =	stileid.u32  }
0x6: {  	s5 =	simm.s32 $0x0;
	s2 =	sand.u32 $0x1, s2;
	s6 =	sshll.u32 s8, $0x1  }
0x7: {  	s13 =	simm.s32 $0x3800;
	s4 =	ssub.s32 $0x2, s2;
	s2 =	sor.u32 s2, s6  }
0x8: {  	s14 =	simm.s32 $0x1;
	[smem:$0x7FF] =	sst s5;
	s30 =	sshll.u32 s2, $0x1  }
0x9: {  	_ =	strace $0x80000047;
	s7 =	sshrl.u32 s4, $0x1;
	s3 =	sadd.s32 s3, s30  }
0xa: {  	s31 =	smul.u32 $0x15, s2;
	s1 =	sadd.s32 s1, s30;
	[dreg:$0x6] =	wrdreg s3  }
0xb: {  	s16 =	simm.s32 $0x2;
	s29 =	ssub.s32 s4, s7;
	[dreg:$0x7] =	wrdreg s1  }
0xc: {  	s6 =	sadd.s32 $0x600, s0;
	[dreg:$0x8] =	wrdreg s31;
	s0 =	smax.u32 s29, $0x1  }
0xd: {  	p0 =	sgt.u32 s8, $0x7;
	s2 =	simm.s32 $0x0;
	[dreg:$0x9] =	wrdreg s0  }
.LBB2_1:
0xe: {  	[dreg:$0xa] =	wrdreg s2  }
0xf: {  	s0 =	simm.s32 @!p0 $0x0;
	s1 =	simm.s32 @!p0 $0x15100;
	s2 =	rddreg [dreg:$0x6]  }
0x10: {  	[tilespmem:s1], [sflag:$0x6] =	stream.linear.gather @!p0 [hbm4b:s2+s0], $0x10, $0x38;
	[tilespmem:$0x15200] =	vst v63  }
0x11: {  	s2 =	simm.s32 @!p0 $0x6  }
0x12: {  	_ =	swait.ge @!p0 [sflag:s2], $0x10  }
0x13: {  	[sflag:s2] =	ssyncset.done @!p0 $0x0  }
0x14: {  	[sflag:s2] =	ssyncadd.s32 @!p0 $0xFFFFFFF0  }
0x15: {  	s4 =	simm.s32 @!p0 $0x10;
	s7 =	simm.s32 @!p0 $0x15180;
	s3 =	rddreg [dreg:$0x2]  }
0x16: {  	[tilespmem:s7], [sflag:$0x5] =	stream.indirect.gather @!p0 [hbm4b:s3+s4], $0x1, s1, s4, $0xb8;
	[tilespmem:$0x15200] =	vst v63  }
0x17: {  	s1 =	simm.s32 @!p0 $0x5  }
0x18: {  	_ =	swait.ge @!p0 [sflag:s1], $0x10  }
0x19: {  	[sflag:s1] =	ssyncset.done @!p0 $0x0  }
0x1a: {  	[sflag:s1] =	ssyncadd.s32 @!p0 $0xFFFFFFF0;
	s1 =	rddreg [dreg:$0x7]  }
0x1b: {  	[hbm4b:s1+s0] =	stream.linear.scatter @!p0 [tilespmem:s7], [sflag:$0x6], $0x10, $0x38;
	[tilespmem:$0x15200] =	vst v63  }
0x1c: {  	_ =	swait.ge @!p0 [sflag:s2], $0x10  }
0x1d: {  	[sflag:s2] =	ssyncset.done @!p0 $0x0  }
0x1e: {  	[sflag:s2] =	ssyncadd.s32 @!p0 $0xFFFFFFF0  }
0x1f: {  	s30 =	simm.s32 $0x15000;
	s31 =	simm.s32 $0x6;
	s29 =	rddreg [dreg:$0x1]  }
0x20: {  	[tilespmem:s30], [sflag:$0x6] =	stream.linear.gather [hbm4b:s29+s5], $0x100, $0x38;
	[tilespmem:$0x15200] =	vst v63  }
0x21: {  	_ =	swait.ge [sflag:s31], $0x100  }
0x22: {  	[sflag:s31] =	ssyncset.done $0x0  }
0x23: {  	[sflag:s31] =	ssyncadd.s32 $0xFFFFFF00  }
0x24: {  	v0 =	vld [tilespmem:$0x15000]  }
0x25: {  	v1 =	vld [tilespmem:$0x15010]  }
0x26: {  	v2 =	vld [tilespmem:$0x15020]  }
0x27: {  	v3 =	vld [tilespmem:$0x15030]  }
0x28: {  	v4 =	vld [tilespmem:$0x15040]  }
0x29: {  	v5 =	vld [tilespmem:$0x15050]  }
0x2a: {  	v6 =	vld [tilespmem:$0x15060]  }
0x2b: {  	v7 =	vld [tilespmem:$0x15070]  }
0x2c: {  	v8 =	vld [tilespmem:$0x15080]  }
0x2d: {  	v9 =	vld [tilespmem:$0x15090]  }
0x2e: {  	v10 =	vld [tilespmem:$0x150A0]  }
0x2f: {  	v11 =	vld [tilespmem:$0x150B0]  }
0x30: {  	v12 =	vld [tilespmem:$0x150C0]  }
0x31: {  	v13 =	vld [tilespmem:$0x150D0]  }
0x32: {  	v14 =	vld [tilespmem:$0x150E0]  }
0x33: {  	s21 =	simm.s32 $0x0;
	v15 =	vld [tilespmem:$0x150F0]  }
.LBB2_2:
0x34: {  	s0 =	rddreg [dreg:$0x8]  }
0x35: {  	s0 =	sadd.s32 s0, s21  }
0x36: {  	s1 =	sshrl.u32 s0, $0x5  }
0x37: {  	s22 =	smulhi.u32 $0x24924925, s1;
	_ =	sdelay $0x1  }
0x38: {  	s1 =	smul.u32 $0xFFFFFF20, s22;
	_ =	sdelay $0x1  }
0x39: {  	s2 =	smul.u32 $0x620000, s22;
	s23 =	sadd.s32 s0, s1  }
0x3a: {  	s1 =	smul.u32 $0x7000, s23;
	_ =	sdelay $0x1  }
0x3b: {  	s0 =	sadd.s32 s2, s1  }
0x3c: {  	s1 =	sshrl.u32 s0, $0x3;
	s0 =	sadd.s32 $0x3800, s0  }
0x3d: {  	p1 =	seq.s32 s21, $0x0;
	s1 =	sadd.s32 s6, s1;
	s0 =	sshrl.u32 s0, $0x3  }
0x3e: {  	[tilespmem:s5], [sflag:$0x1] =	stream.linear.gather [hbm4b:s1+s5], $0x3800, $0x38;
	[tilespmem:$0x15200] =	vst v63  }
0x3f: {  	s0 =	sadd.s32 s6, s0;
	s1 =	simm.s32 @!p1 $0x3  }
0x40: {  	[tilespmem:s13], [sflag:$0x2] =	stream.linear.gather [hbm4b:s0+s5], $0x3800, $0x38;
	[tilespmem:$0x15200] =	vst v63  }
0x41: {  	s3 =	simm.s32 $0x80;
	_ =	swait.ge @!p1 [sflag:s1], $0x7000  }
0x42: {  	v16 =	vadd.s32 s3, v0;
	[sflag:s1] =	ssyncset.done @!p1 $0x0  }
0x43: {  	[sflag:s1] =	ssyncadd.s32 @!p1 $0xFFFF9000  }
0x44: {  	_ =	swait.ge [sflag:s14], $0x3800  }
0x45: {  	[sflag:s14] =	ssyncset.done $0x0  }
0x46: {  	[sflag:s14] =	ssyncadd.s32 $0xFFFFC800  }
0x47: {  	v16 =	vld.idx.msk [tilespmem:v16+s5+$0x0], $0xffff  }
0x48: {  	s8 =	simm.s32 $0x0;
	v17 =	vadd.s32 s3, v1  }
0x49: {  	s2 =	simm.s32 $0x80;
	s1 =	sand.u32 $0x7800, s8  }
0x4a: {  	s2 =	sand.u32 $0x380, s2;
	s1 =	sadd.s32 $0x7000, s1  }
0x4b: {  	s2 =	sor.u32 s2, s1  }
0x4c: {  	[tilespmem:s2+$0x0] =	vst v16  }
0x4d: {  	v16 =	vld.idx.msk [tilespmem:v17+s5+$0x0], $0xffff  }
0x4e: {  	v17 =	vadd.s32 s3, v2;
	_ =	sdelay $0x1  }
0x4f: {  	s8 =	simm.s32 $0x0  }
0x50: {  	v18 =	vadd.s32 s8, v0  }
0x51: {  	[tilespmem:s2+$0x10] =	vst v16  }
0x52: {  	v16 =	vld.idx.msk [tilespmem:v17+s5+$0x0], $0xffff  }
0x53: {  	v17 =	vadd.s32 s3, v3;
	_ =	sdelay $0x1  }
0x54: {  	v18 =	vld.idx.msk [tilespmem:v18+s5+$0x0], $0xffff  }
0x55: {  	v19 =	vadd.s32 s8, v1  }
0x56: {  	s4 =	simm.s32 $0x0;
	[tilespmem:s2+$0x20] =	vst v16  }
0x57: {  	s4 =	sand.u32 $0x300, s4;
	v16 =	vld.idx.msk [tilespmem:v17+s5+$0x0], $0xffff  }
0x58: {  	s31 =	sor.u32 s4, s1;
	v17 =	vadd.s32 s3, v4  }
0x59: {  	[tilespmem:s31+$0x0] =	vst v18  }
0x5a: {  	v18 =	vld.idx.msk [tilespmem:v19+s5+$0x0], $0xffff  }
0x5b: {  	v19 =	vadd.s32 s8, v2  }
0x5c: {  	[tilespmem:s2+$0x30] =	vst v16  }
0x5d: {  	v16 =	vld.idx.msk [tilespmem:v17+s5+$0x0], $0xffff  }
0x5e: {  	v17 =	vadd.s32 s3, v5  }
0x5f: {  	[tilespmem:s31+$0x10] =	vst v18  }
0x60: {  	v18 =	vld.idx.msk [tilespmem:v19+s5+$0x0], $0xffff  }
0x61: {  	v19 =	vadd.s32 s8, v3  }
0x62: {  	[tilespmem:s2+$0x40] =	vst v16  }
0x63: {  	v16 =	vld.idx.msk [tilespmem:v17+s5+$0x0], $0xffff  }
0x64: {  	s30 =	simm.s32 $0x180;
	v17 =	vadd.s32 s3, v6  }
0x65: {  	s10 =	simm.s32 $0x100;
	[tilespmem:s31+$0x20] =	vst v18;
	v18 =	vadd.s32 s30, v0  }
0x66: {  	v20 =	vadd.s32 s10, v0;
	v19 =	vld.idx.msk [tilespmem:v19+s5+$0x0], $0xffff  }
0x67: {  	v21 =	vadd.s32 s8, v4  }
0x68: {  	[tilespmem:s2+$0x50] =	vst v16  }
0x69: {  	v16 =	vld.idx.msk [tilespmem:v17+s5+$0x0], $0xffff  }
0x6a: {  	v17 =	vld.idx.msk [tilespmem:v18+s5+$0x0], $0xffff;
	v18 =	vadd.s32 s3, v7  }
0x6b: {  	s9 =	simm.s32 $0x200;
	[tilespmem:s31+$0x30] =	vst v19;
	v19 =	vld.idx.msk [tilespmem:v20+s5+$0x0], $0xffff;
	v20 =	vadd.s32 s30, v1  }
0x6c: {  	s11 =	simm.s32 $0x180;
	v22 =	vadd.s32 s10, v1;
	s1 =	sand.u32 $0x7800, s9;
	v21 =	vld.idx.msk [tilespmem:v21+s5+$0x0], $0xffff  }
0x6d: {  	s7 =	simm.s32 $0x100;
	v23 =	vadd.s32 s8, v5;
	s4 =	sand.u32 $0x380, s11;
	s1 =	sadd.s32 $0x7000, s1  }
0x6e: {  	s7 =	sand.u32 $0x300, s7;
	s29 =	sor.u32 s4, s1;
	[tilespmem:s2+$0x60] =	vst v16  }
0x6f: {  	s24 =	sor.u32 s7, s1;
	[tilespmem:s29+$0x0] =	vst v17;
	v16 =	vld.idx.msk [tilespmem:v18+s5+$0x0], $0xffff  }
0x70: {  	[tilespmem:s24+$0x0] =	vst v19;
	v17 =	vld.idx.msk [tilespmem:v20+s5+$0x0], $0xffff;
	v18 =	vadd.s32 s3, v8  }
0x71: {  	[tilespmem:s31+$0x40] =	vst v21;
	v19 =	vld.idx.msk [tilespmem:v22+s5+$0x0], $0xffff;
	v20 =	vadd.s32 s30, v2  }
0x72: {  	v21 =	vadd.s32 s10, v2;
	v22 =	vld.idx.msk [tilespmem:v23+s5+$0x0], $0xffff  }
0x73: {  	v23 =	vadd.s32 s8, v6  }
0x74: {  	[tilespmem:s2+$0x70] =	vst v16  }
0x75: {  	[tilespmem:s29+$0x10] =	vst v17;
	v16 =	vld.idx.msk [tilespmem:v18+s5+$0x0], $0xffff  }
0x76: {  	[tilespmem:s24+$0x10] =	vst v19;
	v17 =	vld.idx.msk [tilespmem:v20+s5+$0x0], $0xffff;
	v18 =	vadd.s32 s3, v9  }
0x77: {  	[tilespmem:s31+$0x50] =	vst v22;
	v19 =	vld.idx.msk [tilespmem:v21+s5+$0x0], $0xffff;
	v20 =	vadd.s32 s30, v3  }
0x78: {  	v21 =	vadd.s32 s10, v3;
	v22 =	vld.idx.msk [tilespmem:v23+s5+$0x0], $0xffff  }
0x79: {  	v23 =	vadd.s32 s8, v7  }
0x7a: {  	[tilespmem:s2+$0x400] =	vst v16  }
0x7b: {  	[tilespmem:s29+$0x20] =	vst v17;
	v16 =	vld.idx.msk [tilespmem:v18+s5+$0x0], $0xffff  }
0x7c: {  	[tilespmem:s24+$0x20] =	vst v19;
	v17 =	vld.idx.msk [tilespmem:v20+s5+$0x0], $0xffff;
	v18 =	vadd.s32 s3, v10  }
0x7d: {  	[tilespmem:s31+$0x60] =	vst v22;
	v19 =	vld.idx.msk [tilespmem:v21+s5+$0x0], $0xffff;
	v20 =	vadd.s32 s30, v4  }
0x7e: {  	v21 =	vadd.s32 s10, v4;
	v22 =	vld.idx.msk [tilespmem:v23+s5+$0x0], $0xffff  }
0x7f: {  	s25 =	simm.s32 $0x280;
	v23 =	vadd.s32 s8, v8  }
0x80: {  	v24 =	vadd.s32 s25, v0;
	s11 =	simm.s32 $0x200;
	[tilespmem:s2+$0x410] =	vst v16  }
0x81: {  	v16 =	vadd.s32 s11, v0;
	[tilespmem:s29+$0x30] =	vst v17;
	v17 =	vld.idx.msk [tilespmem:v18+s5+$0x0], $0xffff  }
0x82: {  	[tilespmem:s24+$0x30] =	vst v19;
	v19 =	vadd.s32 s3, v11;
	v18 =	vld.idx.msk [tilespmem:v20+s5+$0x0], $0xffff  }
0x83: {  	[tilespmem:s31+$0x70] =	vst v22;
	v20 =	vld.idx.msk [tilespmem:v21+s5+$0x0], $0xffff;
	v21 =	vadd.s32 s30, v5  }
0x84: {  	v22 =	vadd.s32 s10, v5;
	v23 =	vld.idx.msk [tilespmem:v23+s5+$0x0], $0xffff  }
0x85: {  	v25 =	vadd.s32 s8, v9;
	v24 =	vld.idx.msk [tilespmem:v24+s5+$0x0], $0xffff  }
0x86: {  	s12 =	simm.s32 $0x400;
	v26 =	vadd.s32 s25, v1;
	v16 =	vld.idx.msk [tilespmem:v16+s5+$0x0], $0xffff;
	[tilespmem:s2+$0x420] =	vst v17  }
0x87: {  	s15 =	simm.s32 $0x280;
	s1 =	sand.u32 $0x7800, s12;
	v17 =	vadd.s32 s11, v1;
	[tilespmem:s29+$0x40] =	vst v18;
	v18 =	vld.idx.msk [tilespmem:v19+s5+$0x0], $0xffff  }
0x88: {  	s17 =	simm.s32 $0x200;
	s4 =	sand.u32 $0x380, s15;
	s1 =	sadd.s32 $0x7000, s1;
	[tilespmem:s24+$0x40] =	vst v20;
	v20 =	vadd.s32 s3, v12;
	v19 =	vld.idx.msk [tilespmem:v21+s5+$0x0], $0xffff  }
0x89: {  	s7 =	sand.u32 $0x300, s17;
	s26 =	sor.u32 s4, s1;
	[tilespmem:s31+$0x400] =	vst v23;
	v21 =	vld.idx.msk [tilespmem:v22+s5+$0x0], $0xffff;
	v22 =	vadd.s32 s30, v6  }
0x8a: {  	s28 =	sor.u32 s7, s1;
	[tilespmem:s26+$0x0] =	vst v24;
	v23 =	vadd.s32 s10, v6;
	v25 =	vld.idx.msk [tilespmem:v25+s5+$0x0], $0xffff  }
0x8b: {  	v24 =	vadd.s32 s8, v10;
	[tilespmem:s28+$0x0] =	vst v16;
	v16 =	vld.idx.msk [tilespmem:v26+s5+$0x0], $0xffff  }
0x8c: {  	v26 =	vadd.s32 s25, v2;
	v17 =	vld.idx.msk [tilespmem:v17+s5+$0x0], $0xffff;
	[tilespmem:s2+$0x430] =	vst v18  }
0x8d: {  	v18 =	vadd.s32 s11, v2;
	[tilespmem:s29+$0x50] =	vst v19;
	v19 =	vld.idx.msk [tilespmem:v20+s5+$0x0], $0xffff  }
0x8e: {  	[tilespmem:s24+$0x50] =	vst v21;
	v21 =	vadd.s32 s3, v13;
	v20 =	vld.idx.msk [tilespmem:v22+s5+$0x0], $0xffff  }
0x8f: {  	[tilespmem:s31+$0x410] =	vst v25;
	v22 =	vld.idx.msk [tilespmem:v23+s5+$0x0], $0xffff;
	v23 =	vadd.s32 s30, v7  }
0x90: {  	v25 =	vadd.s32 s10, v7;
	v24 =	vld.idx.msk [tilespmem:v24+s5+$0x0], $0xffff;
	[tilespmem:s26+$0x10] =	vst v16  }
0x91: {  	v16 =	vadd.s32 s8, v11;
	[tilespmem:s28+$0x10] =	vst v17;
	v17 =	vld.idx.msk [tilespmem:v26+s5+$0x0], $0xffff  }
0x92: {  	v26 =	vadd.s32 s25, v3;
	v18 =	vld.idx.msk [tilespmem:v18+s5+$0x0], $0xffff;
	[tilespmem:s2+$0x440] =	vst v19  }
0x93: {  	v19 =	vadd.s32 s11, v3;
	[tilespmem:s29+$0x60] =	vst v20;
	v20 =	vld.idx.msk [tilespmem:v21+s5+$0x0], $0xffff  }
0x94: {  	[tilespmem:s24+$0x60] =	vst v22;
	v22 =	vadd.s32 s3, v14;
	v21 =	vld.idx.msk [tilespmem:v23+s5+$0x0], $0xffff  }
0x95: {  	[tilespmem:s31+$0x420] =	vst v24;
	v24 =	vadd.s32 s30, v8;
	v23 =	vld.idx.msk [tilespmem:v25+s5+$0x0], $0xffff  }
0x96: {  	v25 =	vadd.s32 s10, v8;
	v16 =	vld.idx.msk [tilespmem:v16+s5+$0x0], $0xffff;
	[tilespmem:s26+$0x20] =	vst v17  }
0x97: {  	v17 =	vadd.s32 s8, v12;
	[tilespmem:s28+$0x20] =	vst v18;
	v18 =	vld.idx.msk [tilespmem:v26+s5+$0x0], $0xffff  }
0x98: {  	v26 =	vadd.s32 s25, v4;
	v19 =	vld.idx.msk [tilespmem:v19+s5+$0x0], $0xffff;
	[tilespmem:s2+$0x450] =	vst v20  }
0x99: {  	v20 =	vadd.s32 s11, v4;
	[tilespmem:s29+$0x70] =	vst v21;
	v21 =	vld.idx.msk [tilespmem:v22+s5+$0x0], $0xffff  }
0x9a: {  	[tilespmem:s24+$0x70] =	vst v23;
	v23 =	vadd.s32 s3, v15;
	v22 =	vld.idx.msk [tilespmem:v24+s5+$0x0], $0xffff  }
0x9b: {  	s0 =	simm.s32 $0x380;
	v24 =	vld.idx.msk [tilespmem:v25+s5+$0x0], $0xffff;
	[tilespmem:s31+$0x430] =	vst v16;
	v16 =	vadd.s32 s30, v9  }
0x9c: {  	s12 =	simm.s32 $0x300;
	v25 =	vadd.s32 s0, v0;
	v17 =	vld.idx.msk [tilespmem:v17+s5+$0x0], $0xffff;
	[tilespmem:s26+$0x30] =	vst v18  }
0x9d: {  	v18 =	vadd.s32 s12, v0;
	[tilespmem:s28+$0x30] =	vst v19;
	v19 =	vld.idx.msk [tilespmem:v26+s5+$0x0], $0xffff  }
0x9e: {  	v26 =	vadd.s32 s25, v5;
	v20 =	vld.idx.msk [tilespmem:v20+s5+$0x0], $0xffff;
	[tilespmem:s2+$0x460] =	vst v21  }
0x9f: {  	v21 =	vadd.s32 s11, v5;
	[tilespmem:s29+$0x400] =	vst v22;
	v22 =	vld.idx.msk [tilespmem:v23+s5+$0x0], $0xffff  }
0xa0: {  	[tilespmem:s24+$0x400] =	vst v24;
	v23 =	vadd.s32 s10, v9;
	v16 =	vld.idx.msk [tilespmem:v16+s5+$0x0], $0xffff  }
0xa1: {  	v24 =	vld.idx.msk [tilespmem:v25+s5+$0x0], $0xffff;
	v25 =	vadd.s32 s30, v10;
	[tilespmem:s31+$0x440] =	vst v17  }
0xa2: {  	v27 =	vadd.s32 s0, v1;
	s1 =	simm.s32 $0x600;
	v18 =	vld.idx.msk [tilespmem:v18+s5+$0x0], $0xffff;
	[tilespmem:s26+$0x40] =	vst v19  }
0xa3: {  	s7 =	simm.s32 $0x380;
	s19 =	sand.u32 $0x7800, s1;
	v19 =	vadd.s32 s12, v1;
	[tilespmem:s28+$0x40] =	vst v20;
	v20 =	vld.idx.msk [tilespmem:v26+s5+$0x0], $0xffff  }
0xa4: {  	s15 =	simm.s32 $0x300;
	s20 =	sand.u32 $0x380, s7;
	s17 =	sadd.s32 $0x7000, s19;
	v21 =	vld.idx.msk [tilespmem:v21+s5+$0x0], $0xffff;
	[tilespmem:s2+$0x470] =	vst v22;
	v22 =	vadd.s32 s25, v6  }
0xa5: {  	s15 =	sand.u32 $0x300, s15;
	s4 =	sor.u32 s20, s17;
	v26 =	vadd.s32 s11, v6;
	v23 =	vld.idx.msk [tilespmem:v23+s5+$0x0], $0xffff;
	[tilespmem:s29+$0x410] =	vst v16  }
0xa6: {  	[tilespmem:s4+$0x0] =	vst v24;
	s2 =	sor.u32 s15, s17;
	v16 =	vadd.s32 s10, v10;
	v24 =	vld.idx.msk [tilespmem:v25+s5+$0x0], $0xffff  }
0xa7: {  	[tilespmem:s2+$0x0] =	vst v18;
	v18 =	vld.idx.msk [tilespmem:v27+s5+$0x0], $0xffff;
	v25 =	vadd.s32 s30, v11  }
0xa8: {  	v27 =	vadd.s32 s0, v2;
	v19 =	vld.idx.msk [tilespmem:v19+s5+$0x0], $0xffff;
	[tilespmem:s26+$0x50] =	vst v20  }
0xa9: {  	v20 =	vadd.s32 s12, v2;
	[tilespmem:s28+$0x50] =	vst v21;
	v21 =	vld.idx.msk [tilespmem:v22+s5+$0x0], $0xffff  }
0xaa: {  	v26 =	vld.idx.msk [tilespmem:v26+s5+$0x0], $0xffff;
	[tilespmem:s24+$0x410] =	vst v23;
	v23 =	vadd.s32 s25, v7  }
0xab: {  	v28 =	vadd.s32 s11, v7;
	v16 =	vld.idx.msk [tilespmem:v16+s5+$0x0], $0xffff;
	[tilespmem:s29+$0x420] =	vst v24  }
0xac: {  	v22 =	vadd.s32 s8, v13;
	[tilespmem:s4+$0x10] =	vst v18;
	v29 =	vld.idx.msk [tilespmem:v25+s5+$0x0], $0xffff  }
0xad: {  	v31 =	vadd.s32 s10, v11;
	[tilespmem:s2+$0x10] =	vst v19;
	v19 =	vld.idx.msk [tilespmem:v27+s5+$0x0], $0xffff  }
0xae: {  	v35 =	vadd.s32 s30, v12;
	v36 =	vadd.s32 s10, v12;
	v32 =	vld.idx.msk [tilespmem:v20+s5+$0x0], $0xffff;
	[tilespmem:s26+$0x60] =	vst v21  }
0xaf: {  	v48 =	vadd.s32 s25, v8;
	v41 =	vadd.s32 s0, v3;
	v49 =	vadd.s32 s0, v4;
	[tilespmem:s28+$0x60] =	vst v26;
	v23 =	vld.idx.msk [tilespmem:v23+s5+$0x0], $0xffff  }
0xb0: {  	v40 =	vadd.s32 s8, v14;
	v34 =	vadd.s32 s8, v15;
	v50 =	vadd.s32 s11, v8;
	v45 =	vld.idx.msk [tilespmem:v28+s5+$0x0], $0xffff;
	[tilespmem:s24+$0x420] =	vst v16  }
0xb1: {  	v33 =	vadd.s32 s11, v9;
	v30 =	vadd.s32 s11, v10;
	v42 =	vadd.s32 s12, v3;
	v21 =	vld.idx.msk [tilespmem:v22+s5+$0x0], $0xffff;
	[tilespmem:s29+$0x430] =	vst v29  }
0xb2: {  	v39 =	vadd.s32 s12, v4;
	v38 =	vadd.s32 s12, v5;
	v17 =	vadd.s32 s11, v14;
	v51 =	vld.idx.msk [tilespmem:v31+s5+$0x0], $0xffff;
	[tilespmem:s4+$0x20] =	vst v19  }
0xb3: {  	v24 =	vadd.s32 s10, v14;
	v18 =	vadd.s32 s10, v15;
	v25 =	vadd.s32 s10, v13;
	v47 =	vld.idx.msk [tilespmem:v35+s5+$0x0], $0xffff;
	[tilespmem:s2+$0x20] =	vst v32  }
0xb4: {  	v27 =	vadd.s32 s11, v11;
	v20 =	vadd.s32 s11, v13;
	v22 =	vadd.s32 s11, v12;
	v44 =	vld.idx.msk [tilespmem:v41+s5+$0x0], $0xffff;
	[tilespmem:s26+$0x70] =	vst v23  }
0xb5: {  	v37 =	vadd.s32 s12, v6;
	v26 =	vadd.s32 s12, v11;
	[tilespmem:s28+$0x70] =	vst v45;
	v45 =	vld.idx.msk [tilespmem:v48+s5+$0x0], $0xffff;
	v48 =	vadd.s32 s30, v13  }
0xb6: {  	v16 =	vadd.s32 s11, v15;
	v28 =	vadd.s32 s12, v10;
	v31 =	vadd.s32 s12, v9;
	v43 =	vld.idx.msk [tilespmem:v42+s5+$0x0], $0xffff;
	[tilespmem:s31+$0x450] =	vst v21  }
0xb7: {  	v29 =	vadd.s32 s12, v12;
	v19 =	vadd.s32 s12, v15;
	v35 =	vadd.s32 s12, v7;
	v46 =	vld.idx.msk [tilespmem:v40+s5+$0x0], $0xffff  }
0xb8: {  	s8 =	simm.s32 $0x400;
	s10 =	simm.s32 $0xA;
	v32 =	vadd.s32 s12, v8;
	v21 =	vadd.s32 s12, v14;
	v23 =	vadd.s32 s12, v13;
	v42 =	vld.idx.msk [tilespmem:v50+s5+$0x0], $0xffff;
	[tilespmem:s24+$0x430] =	vst v51  }
.LBB2_3:
0xb9: {  	p2 =	slt.u32 s10, $0x6E;
	v50 =	vadd.s32 s8, v0;
	v51 =	vadd.s32 s8, v1;
	s11 =	sadd.s32 $0x80, s8;
	v52 =	vadd.s32 s25, v9;
	v53 =	vld.idx.msk [tilespmem:v36+s5+$0x0], $0xffff;
	[tilespmem:s29+$0x440] =	vst v47;
	v36 =	vmovc v22;
	v22 =	vmovc v29  }
0xba: {  	v47 =	vadd.s32 s8, v2;
	v41 =	vadd.s32 s8, v3;
	v54 =	vadd.s32 s11, v0;
	[tilespmem:s4+$0x30] =	vst v44;
	v44 =	vld.idx.msk [tilespmem:v48+s5+$0x0], $0xffff  }
0xbb: {  	v29 =	vadd.s32 s8, v4;
	v55 =	vadd.s32 s8, v6;
	v48 =	vadd.s32 s8, v5;
	[tilespmem:s2+$0x30] =	vst v43;
	v43 =	vld.idx.msk [tilespmem:v49+s5+$0x0], $0xffff  }
0xbc: {  	v40 =	vadd.s32 s8, v8;
	v57 =	vadd.s32 s30, v14;
	v49 =	vadd.s32 s8, v7;
	v56 =	vld.idx.msk [tilespmem:v39+s5+$0x0], $0xffff;
	[tilespmem:s31+$0x460] =	vst v46;
	v39 =	vmovc v29  }
0xbd: {  	v58 =	vadd.s32 s8, v10;
	v59 =	vadd.s32 s0, v5;
	v46 =	vadd.s32 s8, v9;
	[tilespmem:s26+$0x400] =	vst v45;
	v45 =	vld.idx.msk [tilespmem:v34+s5+$0x0], $0xffff;
	v34 =	vmovc v18;
	v18 =	vmovc v16  }
0xbe: {  	v60 =	vadd.s32 s8, v11;
	v61 =	vadd.s32 s8, v13;
	v29 =	vadd.s32 s8, v12;
	v16 =	vmovc v19;
	[tilespmem:s28+$0x400] =	vst v42;
	v42 =	vld.idx.msk [tilespmem:v52+s5+$0x0], $0xffff  }
0xbf: {  	v19 =	vadd.s32 s8, v15;
	v52 =	vadd.s32 s8, v14;
	v54 =	vld.idx.msk [tilespmem:v54+s5+$0x0], $0xffff;
	[tilespmem:s24+$0x440] =	vst v53  }
0xc0: {  	v53 =	vadd.s32 s25, v10;
	v50 =	vld.idx.msk [tilespmem:v50+s5+$0x0], $0xffff;
	[tilespmem:s29+$0x450] =	vst v44  }
0xc1: {  	s1 =	sadd.s32 $0x200, s1;
	v44 =	vadd.s32 s11, v1;
	[tilespmem:s4+$0x40] =	vst v43;
	v43 =	vld.idx.msk [tilespmem:v57+s5+$0x0], $0xffff  }
0xc2: {  	s7 =	sadd.s32 $0x100, s7;
	s8 =	sand.u32 $0x7800, s1;
	[tilespmem:s2+$0x40] =	vst v56;
	v56 =	vld.idx.msk [tilespmem:v59+s5+$0x0], $0xffff  }
0xc3: {  	s12 =	sadd.s32 $0xFFFFFF80, s7;
	s15 =	sand.u32 $0x380, s7;
	s8 =	sadd.s32 $0x7000, s8;
	v59 =	vadd.s32 s30, v15;
	v57 =	vld.idx.msk [tilespmem:v38+s5+$0x0], $0xffff;
	[tilespmem:s31+$0x470] =	vst v45;
	v38 =	vmov v48  }
0xc4: {  	s12 =	sand.u32 $0x300, s12;
	s15 =	sor.u32 s15, s8;
	s30 =	smov.u32 s25;
	v45 =	vadd.s32 s0, v6;
	v48 =	vld.idx.msk [tilespmem:v33+s5+$0x0], $0xffff;
	[tilespmem:s26+$0x410] =	vst v42;
	v33 =	vmov v31;
	v31 =	vmov v46  }
0xc5: {  	s8 =	sor.u32 s12, s8;
	s25 =	smov.u32 s0;
	s0 =	smov.u32 s11;
	[tilespmem:s15+$0x0] =	vst v54;
	v42 =	vld.idx.msk [tilespmem:v53+s5+$0x0], $0xffff  }
0xc6: {  	s31 =	smov.u32 s24;
	s24 =	smov.u32 s28;
	s28 =	smov.u32 s2;
	[tilespmem:s8+$0x0] =	vst v50;
	v44 =	vld.idx.msk [tilespmem:v44+s5+$0x0], $0xffff  }
0xc7: {  	s2 =	smov.u32 s8;
	v50 =	vadd.s32 s30, v11;
	v46 =	vld.idx.msk [tilespmem:v51+s5+$0x0], $0xffff;
	[tilespmem:s29+$0x460] =	vst v43  }
0xc8: {  	v43 =	vadd.s32 s0, v2;
	[tilespmem:s4+$0x50] =	vst v56;
	v51 =	vld.idx.msk [tilespmem:v59+s5+$0x0], $0xffff  }
0xc9: {  	[tilespmem:s28+$0x50] =	vst v57;
	v45 =	vld.idx.msk [tilespmem:v45+s5+$0x0], $0xffff  }
0xca: {  	v53 =	vld.idx.msk [tilespmem:v37+s5+$0x0], $0xffff;
	[tilespmem:s24+$0x410] =	vst v48;
	v37 =	vmov v55  }
0xcb: {  	v48 =	vadd.s32 s25, v7;
	v54 =	vld.idx.msk [tilespmem:v30+s5+$0x0], $0xffff;
	[tilespmem:s26+$0x420] =	vst v42;
	v30 =	vmov v28;
	v28 =	vmov v58  }
0xcc: {  	[tilespmem:s15+$0x10] =	vst v44;
	v42 =	vld.idx.msk [tilespmem:v50+s5+$0x0], $0xffff  }
0xcd: {  	[tilespmem:s2+$0x10] =	vst v46;
	v43 =	vld.idx.msk [tilespmem:v43+s5+$0x0], $0xffff  }
0xce: {  	v46 =	vadd.s32 s30, v12;
	v44 =	vld.idx.msk [tilespmem:v47+s5+$0x0], $0xffff;
	[tilespmem:s29+$0x470] =	vst v51;
	s29 =	smov.u32 s26;
	s26 =	smov.u32 s4;
	s4 =	smov.u32 s15  }
0xcf: {  	v50 =	vadd.s32 s0, v3;
	[tilespmem:s26+$0x60] =	vst v45;
	v45 =	vld.idx.msk [tilespmem:v25+s5+$0x0], $0xffff;
	v25 =	vmovc v20;
	v20 =	vmov v23;
	v23 =	vmov v61  }
0xd0: {  	[tilespmem:s28+$0x60] =	vst v53;
	v51 =	vld.idx.msk [tilespmem:v48+s5+$0x0], $0xffff  }
0xd1: {  	v53 =	vld.idx.msk [tilespmem:v35+s5+$0x0], $0xffff;
	[tilespmem:s24+$0x420] =	vst v54;
	v35 =	vmov v49  }
0xd2: {  	v54 =	vadd.s32 s25, v8;
	v55 =	vld.idx.msk [tilespmem:v27+s5+$0x0], $0xffff;
	[tilespmem:s29+$0x430] =	vst v42;
	v27 =	vmov v26;
	v26 =	vmov v60  }
0xd3: {  	[tilespmem:s4+$0x20] =	vst v43;
	v47 =	vld.idx.msk [tilespmem:v46+s5+$0x0], $0xffff  }
.Ltmp0:
0xd4: {  	[tilespmem:s2+$0x20] =	vst v44;
	v44 =	vld.idx.msk [tilespmem:v50+s5+$0x0], $0xffff;
	(pc) =	sbr.rel @p2 .LBB2_3-.Ltmp0, $4  }
0xd5: {  	v48 =	vadd.s32 s30, v13;
	v43 =	vld.idx.msk [tilespmem:v41+s5+$0x0], $0xffff;
	[tilespmem:s31+$0x450] =	vst v45  }
0xd6: {  	v49 =	vadd.s32 s0, v4;
	[tilespmem:s26+$0x70] =	vst v51;
	v46 =	vld.idx.msk [tilespmem:v24+s5+$0x0], $0xffff;
	v24 =	vmovc v17;
	v17 =	vmov v21;
	v21 =	vmov v52  }
0xd7: {  	[tilespmem:s28+$0x70] =	vst v53;
	v45 =	vld.idx.msk [tilespmem:v54+s5+$0x0], $0xffff  }
0xd8: {  	s8 =	sshll.u32 s10, $0x7;
	s10 =	sadd.s32 $0x2, s10;
	v42 =	vld.idx.msk [tilespmem:v32+s5+$0x0], $0xffff;
	[tilespmem:s24+$0x430] =	vst v55;
	v32 =	vmov v40  }
0xd9: {  	s10 =	sadd.s32 $0x80, s8;
	v41 =	vadd.s32 s8, v0  }
0xda: {  	v40 =	vadd.s32 s10, v0;
	_ =	sdelay $0x3  }
0xdb: {  	v41 =	vld.idx.msk [tilespmem:v41+s5+$0x0], $0xffff  }
0xdc: {  	s1 =	sadd.s32 $0x200, s1;
	v51 =	vadd.s32 s8, v1;
	s7 =	sadd.s32 $0x100, s7;
	v40 =	vld.idx.msk [tilespmem:v40+s5+$0x0], $0xffff  }
0xdd: {  	v50 =	vadd.s32 s10, v1;
	s1 =	sand.u32 $0x7800, s1;
	s11 =	sadd.s32 $0xFFFFFF80, s7  }
0xde: {  	s7 =	sand.u32 $0x380, s7;
	s1 =	sadd.s32 $0x7000, s1;
	s11 =	sand.u32 $0x300, s11  }
0xdf: {  	s7 =	sor.u32 s7, s1;
	s1 =	sor.u32 s11, s1  }
0xe0: {  	[tilespmem:s1+$0x0] =	vst v41  }
0xe1: {  	[tilespmem:s7+$0x0] =	vst v40;
	v41 =	vld.idx.msk [tilespmem:v51+s5+$0x0], $0xffff  }
0xe2: {  	v61 =	vadd.s32 s8, v2;
	v40 =	vld.idx.msk [tilespmem:v50+s5+$0x0], $0xffff  }
0xe3: {  	v60 =	vadd.s32 s10, v2;
	_ =	sdelay $0x2  }
0xe4: {  	[tilespmem:s1+$0x10] =	vst v41  }
0xe5: {  	[tilespmem:s7+$0x10] =	vst v40;
	v41 =	vld.idx.msk [tilespmem:v61+s5+$0x0], $0xffff  }
0xe6: {  	v63 =	vadd.s32 s8, v3;
	v40 =	vld.idx.msk [tilespmem:v60+s5+$0x0], $0xffff  }
0xe7: {  	v62 =	vadd.s32 s10, v3;
	_ =	sdelay $0x1  }
0xe8: {  	[tilespmem:s29+$0x440] =	vst v47  }
0xe9: {  	[tilespmem:s1+$0x20] =	vst v41  }
0xea: {  	[tilespmem:s7+$0x20] =	vst v40;
	v41 =	vld.idx.msk [tilespmem:v63+s5+$0x0], $0xffff  }
0xeb: {  	v52 =	vadd.s32 s8, v4;
	[tilespmem:s2+$0x30] =	vst v43;
	v40 =	vld.idx.msk [tilespmem:v62+s5+$0x0], $0xffff  }
0xec: {  	[tilespmem:s4+$0x30] =	vst v44;
	v39 =	vld.idx.msk [tilespmem:v39+s5+$0x0], $0xffff;
	v51 =	vadd.s32 s10, v4  }
0xed: {  	v36 =	vld.idx.msk [tilespmem:v36+s5+$0x0], $0xffff;
	[tilespmem:s31+$0x460] =	vst v46  }
0xee: {  	v53 =	vld.idx.msk [tilespmem:v49+s5+$0x0], $0xffff;
	[tilespmem:s26+$0x400] =	vst v45  }
0xef: {  	v54 =	vadd.s32 s0, v5;
	v57 =	vld.idx.msk [tilespmem:v48+s5+$0x0], $0xffff;
	[tilespmem:s1+$0x30] =	vst v41  }
0xf0: {  	v58 =	vadd.s32 s25, v9;
	[tilespmem:s7+$0x30] =	vst v40;
	v41 =	vld.idx.msk [tilespmem:v52+s5+$0x0], $0xffff  }
0xf1: {  	v56 =	vadd.s32 s8, v5;
	[tilespmem:s2+$0x40] =	vst v39;
	v40 =	vld.idx.msk [tilespmem:v51+s5+$0x0], $0xffff  }
0xf2: {  	v55 =	vadd.s32 s10, v5;
	[tilespmem:s28+$0x400] =	vst v42;
	v38 =	vld.idx.msk [tilespmem:v38+s5+$0x0], $0xffff  }
0xf3: {  	v34 =	vld.idx.msk [tilespmem:v34+s5+$0x0], $0xffff;
	[tilespmem:s4+$0x40] =	vst v53  }
0xf4: {  	[tilespmem:s24+$0x440] =	vst v36;
	v59 =	vld.idx.msk [tilespmem:v54+s5+$0x0], $0xffff  }
0xf5: {  	v43 =	vld.idx.msk [tilespmem:v58+s5+$0x0], $0xffff;
	v60 =	vadd.s32 s0, v6;
	[tilespmem:s1+$0x40] =	vst v41  }
0xf6: {  	[tilespmem:s7+$0x40] =	vst v40;
	v61 =	vld.idx.msk [tilespmem:v56+s5+$0x0], $0xffff  }
0xf7: {  	[tilespmem:s2+$0x50] =	vst v38;
	v63 =	vadd.s32 s8, v6;
	v40 =	vld.idx.msk [tilespmem:v55+s5+$0x0], $0xffff  }
0xf8: {  	[tilespmem:s29+$0x450] =	vst v57;
	v37 =	vld.idx.msk [tilespmem:v37+s5+$0x0], $0xffff;
	v62 =	vadd.s32 s10, v6  }
0xf9: {  	v33 =	vld.idx.msk [tilespmem:v33+s5+$0x0], $0xffff;
	[tilespmem:s4+$0x50] =	vst v59  }
0xfa: {  	v45 =	vadd.s32 s30, v14;
	[tilespmem:s31+$0x470] =	vst v34;
	v46 =	vld.idx.msk [tilespmem:v60+s5+$0x0], $0xffff  }
0xfb: {  	v47 =	vadd.s32 s0, v7;
	v25 =	vld.idx.msk [tilespmem:v25+s5+$0x0], $0xffff;
	[tilespmem:s1+$0x50] =	vst v61  }
0xfc: {  	[tilespmem:s7+$0x50] =	vst v40;
	v49 =	vld.idx.msk [tilespmem:v63+s5+$0x0], $0xffff  }
0xfd: {  	[tilespmem:s2+$0x60] =	vst v37;
	v51 =	vadd.s32 s8, v7;
	v48 =	vld.idx.msk [tilespmem:v62+s5+$0x0], $0xffff  }
0xfe: {  	[tilespmem:s26+$0x410] =	vst v43;
	v50 =	vadd.s32 s10, v7;
	v35 =	vld.idx.msk [tilespmem:v35+s5+$0x0], $0xffff  }
0xff: {  	v42 =	vld.idx.msk [tilespmem:v45+s5+$0x0], $0xffff;
	[tilespmem:s4+$0x60] =	vst v46  }
0x100: {  	[tilespmem:s28+$0x410] =	vst v33;
	v54 =	vld.idx.msk [tilespmem:v47+s5+$0x0], $0xffff  }
0x101: {  	v30 =	vld.idx.msk [tilespmem:v30+s5+$0x0], $0xffff;
	v55 =	vadd.s32 s0, v8;
	[tilespmem:s1+$0x60] =	vst v49  }
0x102: {  	v52 =	vadd.s32 s25, v10;
	[tilespmem:s7+$0x60] =	vst v48;
	v57 =	vld.idx.msk [tilespmem:v51+s5+$0x0], $0xffff  }
0x103: {  	v59 =	vadd.s32 s8, v8;
	[tilespmem:s2+$0x70] =	vst v35;
	v56 =	vld.idx.msk [tilespmem:v50+s5+$0x0], $0xffff  }
0x104: {  	v58 =	vadd.s32 s10, v8;
	[tilespmem:s24+$0x450] =	vst v25;
	v32 =	vld.idx.msk [tilespmem:v32+s5+$0x0], $0xffff  }
0x105: {  	v24 =	vld.idx.msk [tilespmem:v24+s5+$0x0], $0xffff;
	[tilespmem:s4+$0x70] =	vst v54  }
0x106: {  	[tilespmem:s29+$0x460] =	vst v42;
	v63 =	vld.idx.msk [tilespmem:v55+s5+$0x0], $0xffff  }
0x107: {  	v44 =	vadd.s32 s0, v9;
	v60 =	vld.idx.msk [tilespmem:v52+s5+$0x0], $0xffff;
	[tilespmem:s1+$0x70] =	vst v57  }
0x108: {  	v62 =	vadd.s32 s25, v11;
	[tilespmem:s7+$0x70] =	vst v56;
	v36 =	vld.idx.msk [tilespmem:v59+s5+$0x0], $0xffff  }
0x109: {  	v46 =	vadd.s32 s8, v9;
	[tilespmem:s2+$0x400] =	vst v32;
	v34 =	vld.idx.msk [tilespmem:v58+s5+$0x0], $0xffff  }
0x10a: {  	v45 =	vadd.s32 s10, v9;
	[tilespmem:s28+$0x420] =	vst v30;
	v31 =	vld.idx.msk [tilespmem:v31+s5+$0x0], $0xffff  }
0x10b: {  	v27 =	vld.idx.msk [tilespmem:v27+s5+$0x0], $0xffff;
	[tilespmem:s4+$0x400] =	vst v63  }
0x10c: {  	v53 =	vadd.s32 s30, v15;
	[tilespmem:s26+$0x420] =	vst v60;
	v48 =	vld.idx.msk [tilespmem:v44+s5+$0x0], $0xffff  }
0x10d: {  	v49 =	vadd.s32 s0, v10;
	v47 =	vld.idx.msk [tilespmem:v62+s5+$0x0], $0xffff;
	[tilespmem:s1+$0x400] =	vst v36  }
0x10e: {  	v51 =	vadd.s32 s25, v12;
	[tilespmem:s7+$0x400] =	vst v34;
	v36 =	vld.idx.msk [tilespmem:v46+s5+$0x0], $0xffff  }
0x10f: {  	[tilespmem:s2+$0x410] =	vst v31;
	v50 =	vadd.s32 s8, v10;
	v34 =	vld.idx.msk [tilespmem:v45+s5+$0x0], $0xffff  }
0x110: {  	v30 =	vadd.s32 s10, v10;
	[tilespmem:s28+$0x430] =	vst v27;
	v28 =	vld.idx.msk [tilespmem:v28+s5+$0x0], $0xffff  }
0x111: {  	v61 =	vld.idx.msk [tilespmem:v53+s5+$0x0], $0xffff;
	[tilespmem:s4+$0x410] =	vst v48  }
0x112: {  	[tilespmem:s26+$0x430] =	vst v47;
	v32 =	vld.idx.msk [tilespmem:v49+s5+$0x0], $0xffff  }
0x113: {  	v31 =	vadd.s32 s0, v11;
	v33 =	vld.idx.msk [tilespmem:v51+s5+$0x0], $0xffff;
	[tilespmem:s1+$0x410] =	vst v36  }
0x114: {  	v27 =	vadd.s32 s25, v13;
	[tilespmem:s7+$0x410] =	vst v34;
	v52 =	vld.idx.msk [tilespmem:v50+s5+$0x0], $0xffff  }
0x115: {  	[tilespmem:s24+$0x460] =	vst v24;
	v53 =	vadd.s32 s8, v11;
	v30 =	vld.idx.msk [tilespmem:v30+s5+$0x0], $0xffff  }
0x116: {  	v25 =	vadd.s32 s10, v11;
	v22 =	vld.idx.msk [tilespmem:v22+s5+$0x0], $0xffff;
	[tilespmem:s2+$0x420] =	vst v28  }
0x117: {  	v26 =	vld.idx.msk [tilespmem:v26+s5+$0x0], $0xffff;
	[tilespmem:s4+$0x420] =	vst v32  }
0x118: {  	[tilespmem:s26+$0x440] =	vst v33;
	v31 =	vld.idx.msk [tilespmem:v31+s5+$0x0], $0xffff  }
0x119: {  	v28 =	vadd.s32 s0, v12;
	v24 =	vld.idx.msk [tilespmem:v27+s5+$0x0], $0xffff;
	[tilespmem:s1+$0x420] =	vst v52  }
0x11a: {  	[tilespmem:s7+$0x420] =	vst v30;
	v54 =	vld.idx.msk [tilespmem:v53+s5+$0x0], $0xffff  }
0x11b: {  	[tilespmem:s28+$0x440] =	vst v22;
	v55 =	vadd.s32 s8, v12;
	v25 =	vld.idx.msk [tilespmem:v25+s5+$0x0], $0xffff  }
0x11c: {  	[tilespmem:s2+$0x430] =	vst v26;
	v30 =	vadd.s32 s10, v12  }
0x11d: {  	v20 =	vld.idx.msk [tilespmem:v20+s5+$0x0], $0xffff;
	[tilespmem:s4+$0x430] =	vst v31  }
0x11e: {  	[tilespmem:s26+$0x450] =	vst v24;
	v24 =	vadd.s32 s25, v14;
	v27 =	vld.idx.msk [tilespmem:v28+s5+$0x0], $0xffff  }
0x11f: {  	v26 =	vadd.s32 s0, v13;
	v28 =	vld.idx.msk [tilespmem:v29+s5+$0x0], $0xffff;
	[tilespmem:s1+$0x430] =	vst v54  }
0x120: {  	[tilespmem:s7+$0x430] =	vst v25;
	v29 =	vld.idx.msk [tilespmem:v55+s5+$0x0], $0xffff  }
0x121: {  	v25 =	vld.idx.msk [tilespmem:v30+s5+$0x0], $0xffff;
	v30 =	vadd.s32 s8, v13  }
0x122: {  	v18 =	vld.idx.msk [tilespmem:v18+s5+$0x0], $0xffff;
	v22 =	vadd.s32 s10, v13;
	[tilespmem:s28+$0x450] =	vst v20  }
0x123: {  	v24 =	vld.idx.msk [tilespmem:v24+s5+$0x0], $0xffff;
	[tilespmem:s4+$0x440] =	vst v27  }
0x124: {  	v20 =	vadd.s32 s25, v15;
	[tilespmem:s2+$0x440] =	vst v28;
	v26 =	vld.idx.msk [tilespmem:v26+s5+$0x0], $0xffff  }
0x125: {  	v27 =	vadd.s32 s0, v14;
	v23 =	vld.idx.msk [tilespmem:v23+s5+$0x0], $0xffff;
	[tilespmem:s1+$0x440] =	vst v29  }
0x126: {  	[tilespmem:s7+$0x440] =	vst v25;
	v25 =	vld.idx.msk [tilespmem:v30+s5+$0x0], $0xffff  }
0x127: {  	[tilespmem:s24+$0x470] =	vst v18;
	v28 =	vadd.s32 s8, v14;
	v22 =	vld.idx.msk [tilespmem:v22+s5+$0x0], $0xffff  }
0x128: {  	v18 =	vadd.s32 s10, v14;
	v17 =	vld.idx.msk [tilespmem:v17+s5+$0x0], $0xffff;
	[tilespmem:s26+$0x460] =	vst v24  }
0x129: {  	v20 =	vld.idx.msk [tilespmem:v20+s5+$0x0], $0xffff;
	[tilespmem:s4+$0x450] =	vst v26  }
0x12a: {  	[tilespmem:s2+$0x450] =	vst v23;
	v26 =	vld.idx.msk [tilespmem:v27+s5+$0x0], $0xffff  }
0x12b: {  	v23 =	vadd.s32 s0, v15;
	v21 =	vld.idx.msk [tilespmem:v21+s5+$0x0], $0xffff;
	[tilespmem:s1+$0x450] =	vst v25  }
0x12c: {  	[tilespmem:s7+$0x450] =	vst v22;
	v24 =	vld.idx.msk [tilespmem:v28+s5+$0x0], $0xffff  }
0x12d: {  	[tilespmem:s28+$0x460] =	vst v17;
	v25 =	vadd.s32 s8, v15;
	v18 =	vld.idx.msk [tilespmem:v18+s5+$0x0], $0xffff  }
0x12e: {  	[tilespmem:s26+$0x470] =	vst v20;
	v22 =	vadd.s32 s10, v15  }
0x12f: {  	v16 =	vld.idx.msk [tilespmem:v16+s5+$0x0], $0xffff;
	[tilespmem:s4+$0x460] =	vst v26  }
0x130: {  	[tilespmem:s2+$0x460] =	vst v21;
	v17 =	vld.idx.msk [tilespmem:v23+s5+$0x0], $0xffff  }
0x131: {  	v19 =	vld.idx.msk [tilespmem:v19+s5+$0x0], $0xffff;
	[tilespmem:s1+$0x460] =	vst v24  }
0x132: {  	[tilespmem:s7+$0x460] =	vst v18;
	v20 =	vld.idx.msk [tilespmem:v25+s5+$0x0], $0xffff  }
0x133: {  	s11 =	smul.u32 $0xE000, s23;
	[tilespmem:s29+$0x470] =	vst v61;
	v18 =	vld.idx.msk [tilespmem:v22+s5+$0x0], $0xffff  }
0x134: {  	[tilespmem:s28+$0x470] =	vst v16;
	s10 =	smul.u32 $0xC40000, s22  }
0x135: {  	[tilespmem:s4+$0x470] =	vst v17  }
0x136: {  	[tilespmem:s2+$0x470] =	vst v19;
	s22 =	sadd.s32 s10, s11  }
0x137: {  	s0 =	sshrl.u32 s22, $0x3;
	[tilespmem:s1+$0x470] =	vst v20  }
0x138: {  	s12 =	simm.s32 $0x7000;
	s0 =	sadd.s32 s18, s0;
	s1 =	simm.s32 @!p1 $0x4;
	[tilespmem:s7+$0x470] =	vst v18  }
0x139: {  	[hbm4b:s0+s5] =	stream.linear.scatter [tilespmem:s12], [sflag:$0x3], $0x7000, $0x38;
	[tilespmem:$0x15200] =	vst v63  }
0x13a: {  	s0 =	simm.s32 $0x80;
	_ =	swait.ge @!p1 [sflag:s1], $0x7000  }
0x13b: {  	v16 =	vadd.s32 s0, v0;
	[sflag:s1] =	ssyncset.done @!p1 $0x0  }
0x13c: {  	[sflag:s1] =	ssyncadd.s32 @!p1 $0xFFFF9000  }
0x13d: {  	_ =	swait.ge [sflag:s16], $0x3800  }
0x13e: {  	[sflag:s16] =	ssyncset.done $0x0  }
0x13f: {  	[sflag:s16] =	ssyncadd.s32 $0xFFFFC800  }
0x140: {  	v16 =	vld.idx.msk [tilespmem:v16+s13+$0x0], $0xffff  }
0x141: {  	s15 =	simm.s32 $0x0;
	v17 =	vadd.s32 s0, v1  }
0x142: {  	s17 =	simm.s32 $0x80;
	s15 =	sand.u32 $0x7800, s15  }
0x143: {  	s17 =	sand.u32 $0x380, s17;
	s1 =	sadd.s32 $0xE000, s15  }
0x144: {  	s19 =	sor.u32 s17, s1  }
0x145: {  	[tilespmem:s19+$0x0] =	vst v16  }
0x146: {  	v16 =	vld.idx.msk [tilespmem:v17+s13+$0x0], $0xffff  }
0x147: {  	v17 =	vadd.s32 s0, v2;
	_ =	sdelay $0x1  }
0x148: {  	s12 =	simm.s32 $0x0  }
0x149: {  	v18 =	vadd.s32 s12, v0  }
0x14a: {  	[tilespmem:s19+$0x10] =	vst v16  }
0x14b: {  	v16 =	vld.idx.msk [tilespmem:v17+s13+$0x0], $0xffff  }
0x14c: {  	v17 =	vadd.s32 s0, v3;
	_ =	sdelay $0x1  }
0x14d: {  	v18 =	vld.idx.msk [tilespmem:v18+s13+$0x0], $0xffff  }
0x14e: {  	v19 =	vadd.s32 s12, v1  }
0x14f: {  	s9 =	smov.u32 s18;
	s18 =	simm.s32 $0x0;
	[tilespmem:s19+$0x20] =	vst v16  }
0x150: {  	s2 =	sand.u32 $0x300, s18;
	v16 =	vld.idx.msk [tilespmem:v17+s13+$0x0], $0xffff  }
0x151: {  	s20 =	sor.u32 s2, s1;
	v17 =	vadd.s32 s0, v4  }
0x152: {  	[tilespmem:s20+$0x0] =	vst v18  }
0x153: {  	v18 =	vld.idx.msk [tilespmem:v19+s13+$0x0], $0xffff  }
0x154: {  	v19 =	vadd.s32 s12, v2  }
0x155: {  	[tilespmem:s19+$0x30] =	vst v16  }
0x156: {  	v16 =	vld.idx.msk [tilespmem:v17+s13+$0x0], $0xffff  }
0x157: {  	v17 =	vadd.s32 s0, v5  }
0x158: {  	[tilespmem:s20+$0x10] =	vst v18  }
0x159: {  	v18 =	vld.idx.msk [tilespmem:v19+s13+$0x0], $0xffff  }
0x15a: {  	v19 =	vadd.s32 s12, v3  }
0x15b: {  	[tilespmem:s19+$0x40] =	vst v16  }
0x15c: {  	v16 =	vld.idx.msk [tilespmem:v17+s13+$0x0], $0xffff  }
0x15d: {  	s24 =	simm.s32 $0x180;
	v17 =	vadd.s32 s0, v6  }
0x15e: {  	s18 =	simm.s32 $0x100;
	[tilespmem:s20+$0x20] =	vst v18;
	v18 =	vadd.s32 s24, v0  }
0x15f: {  	v20 =	vadd.s32 s18, v0;
	v19 =	vld.idx.msk [tilespmem:v19+s13+$0x0], $0xffff  }
0x160: {  	v21 =	vadd.s32 s12, v4  }
0x161: {  	[tilespmem:s19+$0x50] =	vst v16  }
0x162: {  	v16 =	vld.idx.msk [tilespmem:v17+s13+$0x0], $0xffff  }
0x163: {  	v17 =	vld.idx.msk [tilespmem:v18+s13+$0x0], $0xffff;
	v18 =	vadd.s32 s0, v7  }
0x164: {  	s23 =	simm.s32 $0x200;
	[tilespmem:s20+$0x30] =	vst v19;
	v19 =	vld.idx.msk [tilespmem:v20+s13+$0x0], $0xffff;
	v20 =	vadd.s32 s24, v1  }
0x165: {  	s25 =	simm.s32 $0x180;
	s4 =	sand.u32 $0x7800, s23;
	v22 =	vadd.s32 s18, v1;
	v21 =	vld.idx.msk [tilespmem:v21+s13+$0x0], $0xffff  }
0x166: {  	s26 =	simm.s32 $0x100;
	s3 =	sadd.s32 $0xE000, s4;
	s7 =	sand.u32 $0x380, s25;
	v23 =	vadd.s32 s12, v5  }
0x167: {  	s8 =	sor.u32 s7, s3;
	s1 =	sand.u32 $0x300, s26;
	[tilespmem:s19+$0x60] =	vst v16  }
0x168: {  	s10 =	sor.u32 s1, s3;
	[tilespmem:s8+$0x0] =	vst v17;
	v16 =	vld.idx.msk [tilespmem:v18+s13+$0x0], $0xffff  }
0x169: {  	[tilespmem:s10+$0x0] =	vst v19;
	v17 =	vld.idx.msk [tilespmem:v20+s13+$0x0], $0xffff;
	v18 =	vadd.s32 s0, v8  }
0x16a: {  	[tilespmem:s20+$0x40] =	vst v21;
	v19 =	vld.idx.msk [tilespmem:v22+s13+$0x0], $0xffff;
	v20 =	vadd.s32 s24, v2  }
0x16b: {  	v21 =	vadd.s32 s18, v2;
	v22 =	vld.idx.msk [tilespmem:v23+s13+$0x0], $0xffff  }
0x16c: {  	v23 =	vadd.s32 s12, v6  }
0x16d: {  	[tilespmem:s19+$0x70] =	vst v16  }
0x16e: {  	[tilespmem:s8+$0x10] =	vst v17;
	v16 =	vld.idx.msk [tilespmem:v18+s13+$0x0], $0xffff  }
0x16f: {  	[tilespmem:s10+$0x10] =	vst v19;
	v17 =	vld.idx.msk [tilespmem:v20+s13+$0x0], $0xffff;
	v18 =	vadd.s32 s0, v9  }
0x170: {  	[tilespmem:s20+$0x50] =	vst v22;
	v19 =	vld.idx.msk [tilespmem:v21+s13+$0x0], $0xffff;
	v20 =	vadd.s32 s24, v3  }
0x171: {  	s15 =	sadd.s32 $0xE400, s15;
	v21 =	vadd.s32 s18, v3;
	v22 =	vld.idx.msk [tilespmem:v23+s13+$0x0], $0xffff  }
0x172: {  	s30 =	sor.u32 s17, s15;
	v23 =	vadd.s32 s12, v7  }
0x173: {  	[tilespmem:s30+$0x0] =	vst v16  }
0x174: {  	[tilespmem:s8+$0x20] =	vst v17;
	v16 =	vld.idx.msk [tilespmem:v18+s13+$0x0], $0xffff  }
0x175: {  	[tilespmem:s10+$0x20] =	vst v19;
	v17 =	vld.idx.msk [tilespmem:v20+s13+$0x0], $0xffff;
	v18 =	vadd.s32 s0, v10  }
0x176: {  	[tilespmem:s20+$0x60] =	vst v22;
	v19 =	vld.idx.msk [tilespmem:v21+s13+$0x0], $0xffff;
	v20 =	vadd.s32 s24, v4  }
0x177: {  	v21 =	vadd.s32 s18, v4;
	v22 =	vld.idx.msk [tilespmem:v23+s13+$0x0], $0xffff  }
0x178: {  	s23 =	simm.s32 $0x280;
	v23 =	vadd.s32 s12, v8  }
0x179: {  	v24 =	vadd.s32 s23, v0;
	s19 =	simm.s32 $0x200;
	[tilespmem:s30+$0x10] =	vst v16  }
0x17a: {  	v16 =	vadd.s32 s19, v0;
	[tilespmem:s8+$0x30] =	vst v17;
	v17 =	vld.idx.msk [tilespmem:v18+s13+$0x0], $0xffff  }
0x17b: {  	[tilespmem:s10+$0x30] =	vst v19;
	v19 =	vadd.s32 s0, v11;
	v18 =	vld.idx.msk [tilespmem:v20+s13+$0x0], $0xffff  }
0x17c: {  	[tilespmem:s20+$0x70] =	vst v22;
	v20 =	vld.idx.msk [tilespmem:v21+s13+$0x0], $0xffff;
	v21 =	vadd.s32 s24, v5  }
0x17d: {  	v22 =	vadd.s32 s18, v5;
	v23 =	vld.idx.msk [tilespmem:v23+s13+$0x0], $0xffff  }
0x17e: {  	v25 =	vadd.s32 s12, v9;
	v24 =	vld.idx.msk [tilespmem:v24+s13+$0x0], $0xffff  }
0x17f: {  	v26 =	vadd.s32 s23, v1;
	s17 =	simm.s32 $0x400;
	v16 =	vld.idx.msk [tilespmem:v16+s13+$0x0], $0xffff;
	[tilespmem:s30+$0x20] =	vst v17  }
0x180: {  	s29 =	sor.u32 s2, s15;
	s2 =	sand.u32 $0x7800, s17;
	s20 =	simm.s32 $0x280;
	v17 =	vadd.s32 s19, v1;
	[tilespmem:s8+$0x40] =	vst v18;
	v18 =	vld.idx.msk [tilespmem:v19+s13+$0x0], $0xffff  }
0x181: {  	s25 =	simm.s32 $0x200;
	s3 =	sadd.s32 $0xE000, s2;
	s26 =	sand.u32 $0x380, s20;
	[tilespmem:s10+$0x40] =	vst v20;
	v20 =	vadd.s32 s0, v12;
	v19 =	vld.idx.msk [tilespmem:v21+s13+$0x0], $0xffff  }
0x182: {  	s28 =	sand.u32 $0x300, s25;
	s15 =	sor.u32 s26, s3;
	[tilespmem:s29+$0x0] =	vst v23;
	v21 =	vld.idx.msk [tilespmem:v22+s13+$0x0], $0xffff;
	v22 =	vadd.s32 s24, v6  }
0x183: {  	s20 =	sor.u32 s28, s3;
	[tilespmem:s15+$0x0] =	vst v24;
	v23 =	vadd.s32 s18, v6;
	v25 =	vld.idx.msk [tilespmem:v25+s13+$0x0], $0xffff  }
0x184: {  	v24 =	vadd.s32 s12, v10;
	[tilespmem:s20+$0x0] =	vst v16;
	v16 =	vld.idx.msk [tilespmem:v26+s13+$0x0], $0xffff  }
0x185: {  	v26 =	vadd.s32 s23, v2;
	v17 =	vld.idx.msk [tilespmem:v17+s13+$0x0], $0xffff;
	[tilespmem:s30+$0x30] =	vst v18  }
0x186: {  	v18 =	vadd.s32 s19, v2;
	[tilespmem:s8+$0x50] =	vst v19;
	v19 =	vld.idx.msk [tilespmem:v20+s13+$0x0], $0xffff  }
0x187: {  	[tilespmem:s10+$0x50] =	vst v21;
	v21 =	vadd.s32 s0, v13;
	v20 =	vld.idx.msk [tilespmem:v22+s13+$0x0], $0xffff  }
0x188: {  	[tilespmem:s29+$0x10] =	vst v25;
	v22 =	vld.idx.msk [tilespmem:v23+s13+$0x0], $0xffff;
	v23 =	vadd.s32 s24, v7  }
0x189: {  	v25 =	vadd.s32 s18, v7;
	v24 =	vld.idx.msk [tilespmem:v24+s13+$0x0], $0xffff;
	[tilespmem:s15+$0x10] =	vst v16  }
0x18a: {  	v16 =	vadd.s32 s12, v11;
	[tilespmem:s20+$0x10] =	vst v17;
	v17 =	vld.idx.msk [tilespmem:v26+s13+$0x0], $0xffff  }
0x18b: {  	v26 =	vadd.s32 s23, v3;
	v18 =	vld.idx.msk [tilespmem:v18+s13+$0x0], $0xffff;
	[tilespmem:s30+$0x40] =	vst v19  }
0x18c: {  	v19 =	vadd.s32 s19, v3;
	[tilespmem:s8+$0x60] =	vst v20;
	v20 =	vld.idx.msk [tilespmem:v21+s13+$0x0], $0xffff  }
0x18d: {  	[tilespmem:s10+$0x60] =	vst v22;
	v22 =	vadd.s32 s0, v14;
	v21 =	vld.idx.msk [tilespmem:v23+s13+$0x0], $0xffff  }
0x18e: {  	[tilespmem:s29+$0x20] =	vst v24;
	v24 =	vadd.s32 s24, v8;
	v23 =	vld.idx.msk [tilespmem:v25+s13+$0x0], $0xffff  }
0x18f: {  	v25 =	vadd.s32 s18, v8;
	v16 =	vld.idx.msk [tilespmem:v16+s13+$0x0], $0xffff;
	[tilespmem:s15+$0x20] =	vst v17  }
0x190: {  	v17 =	vadd.s32 s12, v12;
	[tilespmem:s20+$0x20] =	vst v18;
	v18 =	vld.idx.msk [tilespmem:v26+s13+$0x0], $0xffff  }
0x191: {  	v26 =	vadd.s32 s23, v4;
	v19 =	vld.idx.msk [tilespmem:v19+s13+$0x0], $0xffff;
	[tilespmem:s30+$0x50] =	vst v20  }
0x192: {  	v20 =	vadd.s32 s19, v4;
	[tilespmem:s8+$0x70] =	vst v21;
	v21 =	vld.idx.msk [tilespmem:v22+s13+$0x0], $0xffff  }
0x193: {  	[tilespmem:s10+$0x70] =	vst v23;
	v23 =	vadd.s32 s0, v15;
	v22 =	vld.idx.msk [tilespmem:v24+s13+$0x0], $0xffff  }
0x194: {  	s25 =	simm.s32 $0x380;
	v24 =	vld.idx.msk [tilespmem:v25+s13+$0x0], $0xffff;
	[tilespmem:s29+$0x30] =	vst v16;
	v16 =	vadd.s32 s24, v9  }
0x195: {  	s17 =	simm.s32 $0x300;
	v25 =	vadd.s32 s25, v0;
	v17 =	vld.idx.msk [tilespmem:v17+s13+$0x0], $0xffff;
	[tilespmem:s15+$0x30] =	vst v18  }
0x196: {  	s11 =	sadd.s32 $0xE400, s4;
	v18 =	vadd.s32 s17, v0;
	[tilespmem:s20+$0x30] =	vst v19;
	v19 =	vld.idx.msk [tilespmem:v26+s13+$0x0], $0xffff  }
0x197: {  	s4 =	sor.u32 s7, s11;
	v26 =	vadd.s32 s23, v5;
	v20 =	vld.idx.msk [tilespmem:v20+s13+$0x0], $0xffff;
	[tilespmem:s30+$0x60] =	vst v21  }
0x198: {  	v21 =	vadd.s32 s19, v5;
	[tilespmem:s4+$0x0] =	vst v22;
	v22 =	vld.idx.msk [tilespmem:v23+s13+$0x0], $0xffff  }
0x199: {  	s0 =	sor.u32 s1, s11;
	v23 =	vadd.s32 s18, v9;
	v16 =	vld.idx.msk [tilespmem:v16+s13+$0x0], $0xffff  }
0x19a: {  	[tilespmem:s0+$0x0] =	vst v24;
	v24 =	vld.idx.msk [tilespmem:v25+s13+$0x0], $0xffff;
	v25 =	vadd.s32 s24, v10  }
0x19b: {  	v27 =	vadd.s32 s25, v1;
	s8 =	simm.s32 $0x600;
	v18 =	vld.idx.msk [tilespmem:v18+s13+$0x0], $0xffff;
	[tilespmem:s15+$0x40] =	vst v19  }
0x19c: {  	s10 =	simm.s32 $0x380;
	s7 =	sand.u32 $0x7800, s8;
	v19 =	vadd.s32 s17, v1;
	[tilespmem:s20+$0x40] =	vst v20;
	v20 =	vld.idx.msk [tilespmem:v26+s13+$0x0], $0xffff  }
0x19d: {  	s1 =	simm.s32 $0x300;
	s11 =	sand.u32 $0x380, s10;
	s3 =	sadd.s32 $0xE000, s7;
	v26 =	vadd.s32 s23, v6;
	v21 =	vld.idx.msk [tilespmem:v21+s13+$0x0], $0xffff;
	[tilespmem:s30+$0x70] =	vst v22  }
0x19e: {  	s1 =	sand.u32 $0x300, s1;
	s31 =	sor.u32 s11, s3;
	v22 =	vadd.s32 s19, v6;
	v23 =	vld.idx.msk [tilespmem:v23+s13+$0x0], $0xffff;
	[tilespmem:s4+$0x10] =	vst v16  }
0x19f: {  	[tilespmem:s31+$0x0] =	vst v24;
	v16 =	vadd.s32 s18, v10;
	s30 =	sor.u32 s1, s3;
	v24 =	vld.idx.msk [tilespmem:v25+s13+$0x0], $0xffff  }
0x1a0: {  	[tilespmem:s30+$0x0] =	vst v18;
	v18 =	vld.idx.msk [tilespmem:v27+s13+$0x0], $0xffff;
	v25 =	vadd.s32 s24, v11  }
0x1a1: {  	v27 =	vadd.s32 s25, v2;
	v19 =	vld.idx.msk [tilespmem:v19+s13+$0x0], $0xffff;
	[tilespmem:s15+$0x50] =	vst v20  }
0x1a2: {  	v20 =	vadd.s32 s17, v2;
	[tilespmem:s20+$0x50] =	vst v21;
	v21 =	vld.idx.msk [tilespmem:v26+s13+$0x0], $0xffff  }
0x1a3: {  	v26 =	vadd.s32 s12, v13;
	v22 =	vld.idx.msk [tilespmem:v22+s13+$0x0], $0xffff;
	[tilespmem:s0+$0x10] =	vst v23  }
0x1a4: {  	v23 =	vadd.s32 s23, v7;
	v16 =	vld.idx.msk [tilespmem:v16+s13+$0x0], $0xffff;
	[tilespmem:s4+$0x20] =	vst v24  }
0x1a5: {  	v28 =	vadd.s32 s19, v7;
	[tilespmem:s31+$0x10] =	vst v18;
	v30 =	vld.idx.msk [tilespmem:v25+s13+$0x0], $0xffff  }
0x1a6: {  	v31 =	vadd.s32 s18, v11;
	[tilespmem:s30+$0x10] =	vst v19;
	v19 =	vld.idx.msk [tilespmem:v27+s13+$0x0], $0xffff  }
0x1a7: {  	v43 =	vadd.s32 s24, v13;
	v58 =	vadd.s32 s24, v12;
	v62 =	vadd.s32 s23, v8;
	[tilespmem:s29+$0x40] =	vst v17;
	v57 =	vld.idx.msk [tilespmem:v20+s13+$0x0], $0xffff  }
0x1a8: {  	v35 =	vadd.s32 s18, v12;
	v59 =	vadd.s32 s25, v3;
	[tilespmem:s15+$0x60] =	vst v21;
	v21 =	vld.idx.msk [tilespmem:v26+s13+$0x0], $0xffff  }
0x1a9: {  	v56 =	vadd.s32 s12, v14;
	v37 =	vadd.s32 s12, v15;
	v26 =	vadd.s32 s17, v3;
	[tilespmem:s20+$0x60] =	vst v22;
	v23 =	vld.idx.msk [tilespmem:v23+s13+$0x0], $0xffff  }
0x1aa: {  	v49 =	vadd.s32 s25, v4;
	v39 =	vadd.s32 s17, v4;
	v38 =	vadd.s32 s17, v5;
	v61 =	vld.idx.msk [tilespmem:v28+s13+$0x0], $0xffff;
	[tilespmem:s0+$0x20] =	vst v16  }
0x1ab: {  	v36 =	vadd.s32 s17, v6;
	v34 =	vadd.s32 s17, v7;
	v32 =	vadd.s32 s17, v8;
	v63 =	vld.idx.msk [tilespmem:v31+s13+$0x0], $0xffff;
	[tilespmem:s4+$0x30] =	vst v30  }
0x1ac: {  	v60 =	vadd.s32 s19, v8;
	v33 =	vadd.s32 s19, v9;
	v29 =	vadd.s32 s19, v10;
	[tilespmem:s31+$0x20] =	vst v19;
	v44 =	vld.idx.msk [tilespmem:v58+s13+$0x0], $0xffff  }
0x1ad: {  	v17 =	vadd.s32 s19, v14;
	v24 =	vadd.s32 s18, v14;
	v18 =	vadd.s32 s18, v15;
	[tilespmem:s30+$0x20] =	vst v57;
	v47 =	vld.idx.msk [tilespmem:v59+s13+$0x0], $0xffff  }
0x1ae: {  	v25 =	vadd.s32 s18, v13;
	v27 =	vadd.s32 s19, v11;
	v20 =	vadd.s32 s19, v13;
	v46 =	vld.idx.msk [tilespmem:v26+s13+$0x0], $0xffff;
	[tilespmem:s29+$0x50] =	vst v21  }
0x1af: {  	v22 =	vadd.s32 s19, v12;
	v16 =	vadd.s32 s19, v15;
	v28 =	vadd.s32 s17, v10;
	[tilespmem:s15+$0x70] =	vst v23;
	v48 =	vld.idx.msk [tilespmem:v56+s13+$0x0], $0xffff  }
0x1b0: {  	v31 =	vadd.s32 s17, v9;
	v30 =	vadd.s32 s17, v12;
	v19 =	vadd.s32 s17, v15;
	[tilespmem:s20+$0x70] =	vst v61;
	v45 =	vld.idx.msk [tilespmem:v62+s13+$0x0], $0xffff  }
0x1b1: {  	s12 =	simm.s32 $0x400;
	s18 =	simm.s32 $0xA;
	v26 =	vadd.s32 s17, v11;
	v21 =	vadd.s32 s17, v14;
	v23 =	vadd.s32 s17, v13;
	v42 =	vld.idx.msk [tilespmem:v60+s13+$0x0], $0xffff;
	[tilespmem:s0+$0x30] =	vst v63  }
.LBB2_5:
0x1b2: {  	p1 =	slt.u32 s18, $0x6E;
	v50 =	vadd.s32 s12, v0;
	v51 =	vadd.s32 s12, v1;
	s17 =	sadd.s32 $0x80, s12;
	v52 =	vadd.s32 s23, v9;
	v53 =	vld.idx.msk [tilespmem:v35+s13+$0x0], $0xffff;
	[tilespmem:s4+$0x40] =	vst v44;
	v35 =	vmovc v22;
	v22 =	vmovc v30  }
0x1b3: {  	v44 =	vadd.s32 s12, v2;
	v41 =	vadd.s32 s12, v3;
	v54 =	vadd.s32 s17, v0;
	[tilespmem:s31+$0x30] =	vst v47;
	v43 =	vld.idx.msk [tilespmem:v43+s13+$0x0], $0xffff  }
0x1b4: {  	v30 =	vadd.s32 s12, v4;
	v55 =	vadd.s32 s12, v6;
	s3 =	sadd.s32 $0xE400, s2;
	s2 =	smov.u32 s7;
	v47 =	vadd.s32 s12, v5;
	[tilespmem:s30+$0x30] =	vst v46;
	v46 =	vld.idx.msk [tilespmem:v49+s13+$0x0], $0xffff  }
0x1b5: {  	v40 =	vadd.s32 s12, v8;
	v57 =	vadd.s32 s24, v14;
	s20 =	sor.u32 s28, s3;
	s15 =	sor.u32 s26, s3;
	s26 =	smov.u32 s11;
	v49 =	vadd.s32 s12, v7;
	v56 =	vld.idx.msk [tilespmem:v39+s13+$0x0], $0xffff;
	[tilespmem:s29+$0x60] =	vst v48;
	v39 =	vmovc v30  }
0x1b6: {  	v58 =	vadd.s32 s12, v10;
	v59 =	vadd.s32 s25, v5;
	s28 =	smov.u32 s1;
	v48 =	vadd.s32 s12, v9;
	[tilespmem:s15+$0x0] =	vst v45;
	v45 =	vld.idx.msk [tilespmem:v37+s13+$0x0], $0xffff;
	v37 =	vmovc v18;
	v18 =	vmovc v16  }
0x1b7: {  	v60 =	vadd.s32 s12, v11;
	v61 =	vadd.s32 s12, v13;
	v30 =	vadd.s32 s12, v12;
	v16 =	vmovc v19;
	[tilespmem:s20+$0x0] =	vst v42;
	v42 =	vld.idx.msk [tilespmem:v52+s13+$0x0], $0xffff  }
0x1b8: {  	v19 =	vadd.s32 s12, v15;
	v52 =	vadd.s32 s12, v14;
	v54 =	vld.idx.msk [tilespmem:v54+s13+$0x0], $0xffff;
	[tilespmem:s0+$0x40] =	vst v53  }
0x1b9: {  	v53 =	vadd.s32 s23, v10;
	v50 =	vld.idx.msk [tilespmem:v50+s13+$0x0], $0xffff;
	[tilespmem:s4+$0x50] =	vst v43  }
0x1ba: {  	s8 =	sadd.s32 $0x200, s8;
	v43 =	vadd.s32 s17, v1;
	[tilespmem:s31+$0x40] =	vst v46;
	v46 =	vld.idx.msk [tilespmem:v57+s13+$0x0], $0xffff  }
0x1bb: {  	s10 =	sadd.s32 $0x100, s10;
	s7 =	sand.u32 $0x7800, s8;
	[tilespmem:s30+$0x40] =	vst v56;
	v56 =	vld.idx.msk [tilespmem:v59+s13+$0x0], $0xffff  }
0x1bc: {  	s1 =	sadd.s32 $0xFFFFFF80, s10;
	s11 =	sand.u32 $0x380, s10;
	s3 =	sadd.s32 $0xE000, s7;
	v59 =	vadd.s32 s24, v15;
	v57 =	vld.idx.msk [tilespmem:v38+s13+$0x0], $0xffff;
	[tilespmem:s29+$0x70] =	vst v45;
	v38 =	vmov v47  }
0x1bd: {  	s1 =	sand.u32 $0x300, s1;
	s12 =	sor.u32 s11, s3;
	s24 =	smov.u32 s23;
	v45 =	vadd.s32 s25, v6;
	v47 =	vld.idx.msk [tilespmem:v33+s13+$0x0], $0xffff;
	[tilespmem:s15+$0x10] =	vst v42;
	v33 =	vmov v31;
	v31 =	vmov v48  }
0x1be: {  	s19 =	sor.u32 s1, s3;
	s23 =	smov.u32 s25;
	s25 =	smov.u32 s17;
	[tilespmem:s12+$0x0] =	vst v54;
	v42 =	vld.idx.msk [tilespmem:v53+s13+$0x0], $0xffff  }
0x1bf: {  	s29 =	smov.u32 s0;
	s0 =	smov.u32 s20;
	[tilespmem:s19+$0x0] =	vst v50;
	v43 =	vld.idx.msk [tilespmem:v43+s13+$0x0], $0xffff  }
0x1c0: {  	v50 =	vadd.s32 s24, v11;
	v48 =	vld.idx.msk [tilespmem:v51+s13+$0x0], $0xffff;
	[tilespmem:s4+$0x60] =	vst v46  }
0x1c1: {  	v46 =	vadd.s32 s25, v2;
	[tilespmem:s31+$0x50] =	vst v56;
	v51 =	vld.idx.msk [tilespmem:v59+s13+$0x0], $0xffff  }
0x1c2: {  	[tilespmem:s30+$0x50] =	vst v57;
	v45 =	vld.idx.msk [tilespmem:v45+s13+$0x0], $0xffff  }
0x1c3: {  	v53 =	vld.idx.msk [tilespmem:v36+s13+$0x0], $0xffff;
	[tilespmem:s0+$0x10] =	vst v47;
	v36 =	vmov v55  }
0x1c4: {  	v47 =	vadd.s32 s23, v7;
	v54 =	vld.idx.msk [tilespmem:v29+s13+$0x0], $0xffff;
	[tilespmem:s15+$0x20] =	vst v42;
	v29 =	vmov v28;
	v28 =	vmov v58  }
0x1c5: {  	[tilespmem:s12+$0x10] =	vst v43;
	v42 =	vld.idx.msk [tilespmem:v50+s13+$0x0], $0xffff  }
0x1c6: {  	[tilespmem:s19+$0x10] =	vst v48;
	v43 =	vld.idx.msk [tilespmem:v46+s13+$0x0], $0xffff  }
0x1c7: {  	v46 =	vld.idx.msk [tilespmem:v44+s13+$0x0], $0xffff;
	v44 =	vadd.s32 s24, v12;
	[tilespmem:s4+$0x70] =	vst v51;
	s4 =	smov.u32 s15  }
0x1c8: {  	v48 =	vadd.s32 s25, v3;
	[tilespmem:s31+$0x60] =	vst v45;
	v45 =	vld.idx.msk [tilespmem:v25+s13+$0x0], $0xffff;
	v25 =	vmovc v20;
	v20 =	vmov v23;
	v23 =	vmov v61  }
0x1c9: {  	[tilespmem:s30+$0x60] =	vst v53;
	v50 =	vld.idx.msk [tilespmem:v47+s13+$0x0], $0xffff  }
0x1ca: {  	v51 =	vld.idx.msk [tilespmem:v34+s13+$0x0], $0xffff;
	[tilespmem:s0+$0x20] =	vst v54;
	v34 =	vmov v49  }
0x1cb: {  	v53 =	vadd.s32 s23, v8;
	v54 =	vld.idx.msk [tilespmem:v27+s13+$0x0], $0xffff;
	[tilespmem:s4+$0x30] =	vst v42;
	v27 =	vmov v26;
	v26 =	vmov v60  }
0x1cc: {  	[tilespmem:s12+$0x20] =	vst v43;
	v44 =	vld.idx.msk [tilespmem:v44+s13+$0x0], $0xffff  }
.Ltmp1:
0x1cd: {  	[tilespmem:s19+$0x20] =	vst v46;
	v47 =	vld.idx.msk [tilespmem:v48+s13+$0x0], $0xffff;
	(pc) =	sbr.rel @p1 .LBB2_5-.Ltmp1, $4  }
0x1ce: {  	v43 =	vadd.s32 s24, v13;
	v46 =	vld.idx.msk [tilespmem:v41+s13+$0x0], $0xffff;
	[tilespmem:s29+$0x50] =	vst v45  }
0x1cf: {  	v49 =	vadd.s32 s25, v4;
	[tilespmem:s31+$0x70] =	vst v50;
	v48 =	vld.idx.msk [tilespmem:v24+s13+$0x0], $0xffff;
	v24 =	vmovc v17;
	v17 =	vmov v21;
	v21 =	vmov v52;
	s31 =	smov.u32 s12  }
0x1d0: {  	[tilespmem:s30+$0x70] =	vst v51;
	v45 =	vld.idx.msk [tilespmem:v53+s13+$0x0], $0xffff;
	s30 =	smov.u32 s19  }
0x1d1: {  	s12 =	sshll.u32 s18, $0x7;
	s18 =	sadd.s32 $0x2, s18;
	v42 =	vld.idx.msk [tilespmem:v32+s13+$0x0], $0xffff;
	[tilespmem:s0+$0x30] =	vst v54;
	v32 =	vmov v40  }
0x1d2: {  	s18 =	sadd.s32 $0x80, s12;
	v41 =	vadd.s32 s12, v0  }
0x1d3: {  	v40 =	vadd.s32 s18, v0;
	_ =	sdelay $0x3  }
0x1d4: {  	v41 =	vld.idx.msk [tilespmem:v41+s13+$0x0], $0xffff  }
0x1d5: {  	s3 =	sadd.s32 $0x200, s8;
	v51 =	vadd.s32 s12, v1;
	s10 =	sadd.s32 $0x100, s10;
	v40 =	vld.idx.msk [tilespmem:v40+s13+$0x0], $0xffff  }
0x1d6: {  	v50 =	vadd.s32 s18, v1;
	s15 =	sand.u32 $0x7800, s3;
	s17 =	sadd.s32 $0xFFFFFF80, s10  }
0x1d7: {  	s19 =	sand.u32 $0x380, s10;
	s20 =	sadd.s32 $0xE000, s15;
	s10 =	sand.u32 $0x300, s17  }
0x1d8: {  	s17 =	sor.u32 s19, s20;
	s20 =	sor.u32 s10, s20  }
0x1d9: {  	[tilespmem:s20+$0x0] =	vst v41  }
0x1da: {  	[tilespmem:s17+$0x0] =	vst v40;
	v41 =	vld.idx.msk [tilespmem:v51+s13+$0x0], $0xffff  }
0x1db: {  	v62 =	vadd.s32 s12, v2;
	v40 =	vld.idx.msk [tilespmem:v50+s13+$0x0], $0xffff  }
0x1dc: {  	v61 =	vadd.s32 s18, v2;
	_ =	sdelay $0x2  }
0x1dd: {  	[tilespmem:s20+$0x10] =	vst v41  }
0x1de: {  	[tilespmem:s17+$0x10] =	vst v40;
	v41 =	vld.idx.msk [tilespmem:v62+s13+$0x0], $0xffff  }
0x1df: {  	v54 =	vadd.s32 s12, v3;
	v40 =	vld.idx.msk [tilespmem:v61+s13+$0x0], $0xffff  }
0x1e0: {  	v63 =	vadd.s32 s18, v3;
	_ =	sdelay $0x1  }
0x1e1: {  	[tilespmem:s29+$0x60] =	vst v48  }
0x1e2: {  	v37 =	vld.idx.msk [tilespmem:v37+s13+$0x0], $0xffff;
	[tilespmem:s20+$0x20] =	vst v41  }
0x1e3: {  	[tilespmem:s17+$0x20] =	vst v40;
	v41 =	vld.idx.msk [tilespmem:v54+s13+$0x0], $0xffff  }
0x1e4: {  	v56 =	vadd.s32 s12, v4;
	[tilespmem:s31+$0x30] =	vst v47;
	v40 =	vld.idx.msk [tilespmem:v63+s13+$0x0], $0xffff  }
0x1e5: {  	v55 =	vadd.s32 s18, v4;
	[tilespmem:s30+$0x30] =	vst v46  }
0x1e6: {  	[tilespmem:s4+$0x40] =	vst v44;
	v39 =	vld.idx.msk [tilespmem:v39+s13+$0x0], $0xffff  }
0x1e7: {  	v35 =	vld.idx.msk [tilespmem:v35+s13+$0x0], $0xffff;
	[tilespmem:s29+$0x70] =	vst v37  }
0x1e8: {  	s8 =	sadd.s32 $0xE400, s2;
	v57 =	vld.idx.msk [tilespmem:v49+s13+$0x0], $0xffff;
	[tilespmem:s20+$0x30] =	vst v41  }
0x1e9: {  	v58 =	vadd.s32 s25, v5;
	s2 =	sor.u32 s26, s8;
	s8 =	sor.u32 s28, s8;
	[tilespmem:s17+$0x30] =	vst v40;
	v37 =	vld.idx.msk [tilespmem:v56+s13+$0x0], $0xffff  }
0x1ea: {  	v60 =	vadd.s32 s12, v5;
	[tilespmem:s8+$0x0] =	vst v42;
	v40 =	vld.idx.msk [tilespmem:v55+s13+$0x0], $0xffff  }
0x1eb: {  	v59 =	vadd.s32 s18, v5;
	v33 =	vld.idx.msk [tilespmem:v33+s13+$0x0], $0xffff;
	[tilespmem:s30+$0x40] =	vst v39  }
0x1ec: {  	[tilespmem:s0+$0x40] =	vst v35;
	v38 =	vld.idx.msk [tilespmem:v38+s13+$0x0], $0xffff  }
0x1ed: {  	[tilespmem:s31+$0x40] =	vst v57;
	v25 =	vld.idx.msk [tilespmem:v25+s13+$0x0], $0xffff  }
0x1ee: {  	v62 =	vld.idx.msk [tilespmem:v58+s13+$0x0], $0xffff;
	[tilespmem:s20+$0x40] =	vst v37  }
0x1ef: {  	v63 =	vadd.s32 s25, v6;
	[tilespmem:s17+$0x40] =	vst v40;
	v49 =	vld.idx.msk [tilespmem:v60+s13+$0x0], $0xffff  }
0x1f0: {  	v52 =	vadd.s32 s12, v6;
	[tilespmem:s2+$0x0] =	vst v45;
	v48 =	vld.idx.msk [tilespmem:v59+s13+$0x0], $0xffff  }
0x1f1: {  	v51 =	vld.idx.msk [tilespmem:v43+s13+$0x0], $0xffff;
	v50 =	vadd.s32 s18, v6;
	[tilespmem:s30+$0x50] =	vst v38  }
0x1f2: {  	[tilespmem:s8+$0x10] =	vst v33;
	v36 =	vld.idx.msk [tilespmem:v36+s13+$0x0], $0xffff  }
0x1f3: {  	v29 =	vld.idx.msk [tilespmem:v29+s13+$0x0], $0xffff;
	[tilespmem:s31+$0x50] =	vst v62  }
0x1f4: {  	v61 =	vadd.s32 s23, v9;
	v55 =	vld.idx.msk [tilespmem:v63+s13+$0x0], $0xffff;
	[tilespmem:s20+$0x50] =	vst v49  }
0x1f5: {  	v56 =	vadd.s32 s25, v7;
	[tilespmem:s17+$0x50] =	vst v48;
	v40 =	vld.idx.msk [tilespmem:v52+s13+$0x0], $0xffff  }
0x1f6: {  	[tilespmem:s0+$0x50] =	vst v25;
	v58 =	vadd.s32 s12, v7;
	v37 =	vld.idx.msk [tilespmem:v50+s13+$0x0], $0xffff  }
0x1f7: {  	v57 =	vadd.s32 s18, v7;
	v24 =	vld.idx.msk [tilespmem:v24+s13+$0x0], $0xffff;
	[tilespmem:s30+$0x60] =	vst v36  }
0x1f8: {  	v53 =	vadd.s32 s24, v14;
	[tilespmem:s4+$0x50] =	vst v51;
	v34 =	vld.idx.msk [tilespmem:v34+s13+$0x0], $0xffff  }
0x1f9: {  	v54 =	vld.idx.msk [tilespmem:v61+s13+$0x0], $0xffff;
	[tilespmem:s31+$0x60] =	vst v55  }
0x1fa: {  	v61 =	vld.idx.msk [tilespmem:v56+s13+$0x0], $0xffff;
	[tilespmem:s20+$0x60] =	vst v40  }
0x1fb: {  	v62 =	vadd.s32 s25, v8;
	[tilespmem:s17+$0x60] =	vst v37;
	v63 =	vld.idx.msk [tilespmem:v58+s13+$0x0], $0xffff  }
0x1fc: {  	v46 =	vadd.s32 s12, v8;
	[tilespmem:s8+$0x20] =	vst v29;
	v37 =	vld.idx.msk [tilespmem:v57+s13+$0x0], $0xffff  }
0x1fd: {  	v45 =	vadd.s32 s18, v8;
	v35 =	vld.idx.msk [tilespmem:v53+s13+$0x0], $0xffff;
	[tilespmem:s30+$0x70] =	vst v34  }
0x1fe: {  	[tilespmem:s0+$0x60] =	vst v24;
	v32 =	vld.idx.msk [tilespmem:v32+s13+$0x0], $0xffff  }
0x1ff: {  	v27 =	vld.idx.msk [tilespmem:v27+s13+$0x0], $0xffff;
	[tilespmem:s31+$0x70] =	vst v61  }
0x200: {  	v60 =	vadd.s32 s24, v15;
	v50 =	vld.idx.msk [tilespmem:v62+s13+$0x0], $0xffff;
	[tilespmem:s20+$0x70] =	vst v63  }
0x201: {  	v51 =	vadd.s32 s25, v9;
	s24 =	sadd.s32 $0xE400, s7;
	[tilespmem:s17+$0x70] =	vst v37;
	v53 =	vld.idx.msk [tilespmem:v46+s13+$0x0], $0xffff  }
0x202: {  	[tilespmem:s2+$0x10] =	vst v54;
	v55 =	vadd.s32 s12, v9;
	s1 =	sor.u32 s1, s24;
	v52 =	vld.idx.msk [tilespmem:v45+s13+$0x0], $0xffff  }
0x203: {  	v18 =	vld.idx.msk [tilespmem:v18+s13+$0x0], $0xffff;
	v54 =	vadd.s32 s18, v9;
	[tilespmem:s1+$0x0] =	vst v32  }
0x204: {  	s28 =	sadd.s32 $0xE400, s15;
	[tilespmem:s4+$0x60] =	vst v35;
	v59 =	vadd.s32 s23, v10;
	s26 =	sor.u32 s11, s24;
	v31 =	vld.idx.msk [tilespmem:v31+s13+$0x0], $0xffff  }
0x205: {  	s10 =	sor.u32 s10, s28;
	v48 =	vld.idx.msk [tilespmem:v60+s13+$0x0], $0xffff;
	[tilespmem:s26+$0x0] =	vst v50  }
0x206: {  	s29 =	sor.u32 s19, s28;
	v57 =	vld.idx.msk [tilespmem:v51+s13+$0x0], $0xffff;
	[tilespmem:s10+$0x0] =	vst v53  }
0x207: {  	v58 =	vadd.s32 s25, v10;
	[tilespmem:s29+$0x0] =	vst v52;
	v60 =	vld.idx.msk [tilespmem:v55+s13+$0x0], $0xffff  }
0x208: {  	v61 =	vadd.s32 s12, v10;
	v35 =	vld.idx.msk [tilespmem:v54+s13+$0x0], $0xffff  }
0x209: {  	[tilespmem:s8+$0x30] =	vst v27;
	v47 =	vld.idx.msk [tilespmem:v59+s13+$0x0], $0xffff;
	v59 =	vadd.s32 s18, v10  }
0x20a: {  	[tilespmem:s1+$0x10] =	vst v31  }
0x20b: {  	v49 =	vadd.s32 s23, v11;
	v28 =	vld.idx.msk [tilespmem:v28+s13+$0x0], $0xffff;
	[tilespmem:s26+$0x10] =	vst v57  }
0x20c: {  	v32 =	vld.idx.msk [tilespmem:v58+s13+$0x0], $0xffff;
	[tilespmem:s10+$0x10] =	vst v60  }
0x20d: {  	v63 =	vadd.s32 s25, v11;
	[tilespmem:s29+$0x10] =	vst v35;
	v39 =	vld.idx.msk [tilespmem:v61+s13+$0x0], $0xffff  }
0x20e: {  	[tilespmem:s0+$0x70] =	vst v18;
	v40 =	vadd.s32 s12, v11;
	v29 =	vld.idx.msk [tilespmem:v59+s13+$0x0], $0xffff  }
0x20f: {  	v38 =	vadd.s32 s18, v11;
	[tilespmem:s2+$0x20] =	vst v47  }
0x210: {  	v56 =	vld.idx.msk [tilespmem:v49+s13+$0x0], $0xffff;
	[tilespmem:s1+$0x20] =	vst v28  }
0x211: {  	v62 =	vadd.s32 s23, v12;
	v26 =	vld.idx.msk [tilespmem:v26+s13+$0x0], $0xffff;
	[tilespmem:s26+$0x20] =	vst v32  }
0x212: {  	v31 =	vld.idx.msk [tilespmem:v63+s13+$0x0], $0xffff;
	[tilespmem:s10+$0x20] =	vst v39  }
0x213: {  	v42 =	vadd.s32 s25, v12;
	[tilespmem:s29+$0x20] =	vst v29;
	v44 =	vld.idx.msk [tilespmem:v40+s13+$0x0], $0xffff  }
0x214: {  	[tilespmem:s4+$0x70] =	vst v48;
	v45 =	vadd.s32 s12, v12;
	v25 =	vld.idx.msk [tilespmem:v38+s13+$0x0], $0xffff  }
0x215: {  	v43 =	vadd.s32 s18, v12;
	v22 =	vld.idx.msk [tilespmem:v22+s13+$0x0], $0xffff;
	[tilespmem:s2+$0x30] =	vst v56  }
0x216: {  	v33 =	vld.idx.msk [tilespmem:v62+s13+$0x0], $0xffff;
	[tilespmem:s1+$0x30] =	vst v26  }
0x217: {  	v41 =	vadd.s32 s23, v13;
	v49 =	vld.idx.msk [tilespmem:v30+s13+$0x0], $0xffff;
	[tilespmem:s26+$0x30] =	vst v31  }
0x218: {  	v47 =	vld.idx.msk [tilespmem:v42+s13+$0x0], $0xffff;
	[tilespmem:s10+$0x30] =	vst v44  }
0x219: {  	v48 =	vadd.s32 s25, v13;
	[tilespmem:s29+$0x30] =	vst v25;
	v51 =	vld.idx.msk [tilespmem:v45+s13+$0x0], $0xffff  }
0x21a: {  	[tilespmem:s8+$0x40] =	vst v22;
	v52 =	vadd.s32 s12, v13;
	v25 =	vld.idx.msk [tilespmem:v43+s13+$0x0], $0xffff  }
0x21b: {  	v20 =	vld.idx.msk [tilespmem:v20+s13+$0x0], $0xffff;
	v50 =	vadd.s32 s18, v13;
	[tilespmem:s2+$0x40] =	vst v33  }
0x21c: {  	v46 =	vld.idx.msk [tilespmem:v41+s13+$0x0], $0xffff;
	[tilespmem:s1+$0x40] =	vst v49  }
0x21d: {  	v53 =	vadd.s32 s23, v14;
	v23 =	vld.idx.msk [tilespmem:v23+s13+$0x0], $0xffff;
	[tilespmem:s26+$0x40] =	vst v47  }
0x21e: {  	v26 =	vld.idx.msk [tilespmem:v48+s13+$0x0], $0xffff;
	[tilespmem:s10+$0x40] =	vst v51  }
0x21f: {  	v54 =	vadd.s32 s25, v14;
	[tilespmem:s29+$0x40] =	vst v25;
	v56 =	vld.idx.msk [tilespmem:v52+s13+$0x0], $0xffff  }
0x220: {  	[tilespmem:s8+$0x50] =	vst v20;
	v57 =	vadd.s32 s12, v14;
	v22 =	vld.idx.msk [tilespmem:v50+s13+$0x0], $0xffff  }
0x221: {  	v17 =	vld.idx.msk [tilespmem:v17+s13+$0x0], $0xffff;
	v55 =	vadd.s32 s18, v14;
	[tilespmem:s2+$0x50] =	vst v46  }
0x222: {  	v24 =	vld.idx.msk [tilespmem:v53+s13+$0x0], $0xffff;
	[tilespmem:s1+$0x50] =	vst v23  }
0x223: {  	v58 =	vadd.s32 s23, v15;
	v21 =	vld.idx.msk [tilespmem:v21+s13+$0x0], $0xffff;
	[tilespmem:s26+$0x50] =	vst v26  }
0x224: {  	v26 =	vld.idx.msk [tilespmem:v54+s13+$0x0], $0xffff;
	[tilespmem:s10+$0x50] =	vst v56  }
0x225: {  	v59 =	vadd.s32 s25, v15;
	[tilespmem:s29+$0x50] =	vst v22;
	v61 =	vld.idx.msk [tilespmem:v57+s13+$0x0], $0xffff  }
0x226: {  	[tilespmem:s8+$0x60] =	vst v17;
	v62 =	vadd.s32 s12, v15;
	v18 =	vld.idx.msk [tilespmem:v55+s13+$0x0], $0xffff  }
0x227: {  	v16 =	vld.idx.msk [tilespmem:v16+s13+$0x0], $0xffff;
	v60 =	vadd.s32 s18, v15;
	[tilespmem:s2+$0x60] =	vst v24  }
0x228: {  	v20 =	vld.idx.msk [tilespmem:v58+s13+$0x0], $0xffff;
	[tilespmem:s1+$0x60] =	vst v21  }
0x229: {  	v19 =	vld.idx.msk [tilespmem:v19+s13+$0x0], $0xffff;
	[tilespmem:s26+$0x60] =	vst v26  }
0x22a: {  	v17 =	vld.idx.msk [tilespmem:v59+s13+$0x0], $0xffff;
	[tilespmem:s10+$0x60] =	vst v61  }
0x22b: {  	[tilespmem:s29+$0x60] =	vst v18;
	v63 =	vld.idx.msk [tilespmem:v62+s13+$0x0], $0xffff  }
0x22c: {  	s21 =	sadd.s32 $0x1, s21;
	[tilespmem:s8+$0x70] =	vst v16;
	v18 =	vld.idx.msk [tilespmem:v60+s13+$0x0], $0xffff  }
0x22d: {  	p1 =	sne.s32 s21, $0x15;
	[tilespmem:s2+$0x70] =	vst v20  }
.Ltmp2:
0x22e: {  	[tilespmem:s1+$0x70] =	vst v19;
	(pc) =	sbr.rel @p1 .LBB2_2-.Ltmp2, $4  }
0x22f: {  	s30 =	sadd.s32 $0x7000, s22;
	[tilespmem:s26+$0x70] =	vst v17  }
0x230: {  	s0 =	sshrl.u32 s30, $0x3;
	[tilespmem:s10+$0x70] =	vst v63  }
0x231: {  	s0 =	sadd.s32 s9, s0;
	s31 =	simm.s32 $0xE000;
	s18 =	smov.u32 s9;
	[tilespmem:s29+$0x70] =	vst v18  }
0x232: {  	[hbm4b:s0+s5] =	stream.linear.scatter [tilespmem:s31], [sflag:$0x4], $0x7000, $0x38;
	[tilespmem:$0x15200] =	vst v63  }
0x233: {  	s0 =	simm.s32 $0x3  }
0x234: {  	_ =	swait.ge [sflag:s0], $0x7000  }
0x235: {  	[sflag:s0] =	ssyncset.done $0x0  }
0x236: {  	s1 =	simm.s32 $0x4;
	[sflag:s0] =	ssyncadd.s32 $0xFFFF9000  }
0x237: {  	_ =	swait.ge [sflag:s1], $0x7000  }
0x238: {  	s2 =	rddreg [dreg:$0xa]  }
0x239: {  	s31 =	rddreg [dreg:$0x9];
	s2 =	sadd.s32 $0x1, s2  }
0x23a: {  	p1 =	sne.s32 s2, s31  }
.Ltmp3:
0x23b: {  	_ = 	snop;
	(pc) =	sbr.rel @p1 .LBB2_1-.Ltmp3, $3  }
0x23c: {  	_ =	sdelay $0x1  }
0x23d: {  	[sflag:s1] =	ssyncset.done $0x0  }
0x23e: {  	[sflag:s1] =	ssyncadd.s32 $0xFFFF9000  }
0x23f: {  	_ =	sfence.sel $0x180000  }
0x240: {  	[bflag:$0x0] =	sbarrier.arrive $0xFFFF  }
0x241: {  	_ =	strace $0x90000047  }
0x242: {  	s0 =	stileid.u32;
	[bflag:$0x2] =	sbarrier.arrive $0xFFFF  }
0x243: {  	p0 =	sne.s32 s0, $0x0;
	s0 =	rddreg [dreg:$0x5]  }
0x244: {  	s0 =	sadd.s32 @!p0 $0x100000, s0  }
0x245: {  	[sflag:s0] =	ssyncadd.tile.s32 @!p0 $0x1;
	_ =	shalt  }
.Lfunc_end2:
_tile_overlayer_lowered:
.L_overlay_start_2:
0x246: {  	(tag) =	ssettag $0x2  }
0x247: {  	s0 =	rddreg [dreg:$0x0];
	s2 =	stileid.u32  }
0x248: {  	s1 =	rddreg [dreg:$0x1];
	p0 =	sne.s32 s2, $0x0  }
0x249: {  	s3 =	rddreg [dreg:$0x2];
	[bflag:$0x3] =	sbarrier.arrive $0xFFFF;
	s2 =	simm.s32 @!p0 $0x1C06  }
0x24a: {  	[timem:s3], [sflag:s2] =	dma.local @!p0 [hbm:s0], s1  }
0x24b: {  	s0 =	simm.s32 @!p0 $0x6  }
0x24c: {  	_ =	swait.ge @!p0 [sflag:s0], s1  }
0x24d: {  	s1 =	ssub.s32 @!p0 $0x0, s1;
	[sflag:s0] =	ssyncset.done @!p0 $0x0  }
0x24e: {  	[sflag:s0] =	ssyncadd.s32 @!p0 s1  }
0x24f: {  	[bflag:$0x3] =	sbarrier.arrive $0xFFFF  }
0x250: {  	_ =	shalt  }

</sc_bundles>
